<compile_context>
chip_gen: v7x
topology: tpu7x:2x2x1
jax: 0.10.2.dev20260603
libtpu: 0.0.44.dev20260713+nightly
codegen_flags: <defaults>
</compile_context>

<pallas_src>
import functools

import jax
import jax.numpy as jnp
from jax import lax
from jax.experimental import pallas as pl
from jax.experimental.pallas import tpu as pltpu
from jax.experimental.pallas import tpu_sc as plsc

DIM = 128
L = 200
LP = 208
EPS = 1e-12

NCORES = 2
NSUB = 16
NW = NCORES * NSUB
NCH = DIM // 16


GRP = 4
LPH = LP // 2


def _sc_pool(W, idx_flat, rows):
    rows_per_w = rows // NW
    mesh = plsc.VectorSubcoreMesh(core_axis_name="c", subcore_axis_name="s")

    @functools.partial(
        pl.kernel,
        out_type=jax.ShapeDtypeStruct((rows, DIM), jnp.float32),
        mesh=mesh,
        scratch_types=[
            pltpu.VMEM((rows_per_w * LP,), jnp.int32),
            pltpu.VMEM((LPH, DIM), jnp.float32),
            pltpu.VMEM((LPH, DIM), jnp.float32),
            pltpu.VMEM((LPH, DIM), jnp.float32),
            pltpu.VMEM((LPH, DIM), jnp.float32),
            pltpu.VMEM((GRP, DIM), jnp.float32),
            pltpu.SemaphoreType.DMA,
            pltpu.SemaphoreType.DMA,
            pltpu.SemaphoreType.DMA,
            pltpu.SemaphoreType.DMA,
        ],
    )
    def pool_kernel(w_hbm, idx_hbm, out_hbm, idx_all, buf_a, buf_b, buf_c,
                    buf_d, obuf, sem_a, sem_b, sem_c, sem_d):
        wid = lax.axis_index("c") * NSUB + lax.axis_index("s")
        base = wid * rows_per_w
        pltpu.sync_copy(
            idx_hbm.at[pl.ds(pl.multiple_of(base * LP, 8), rows_per_w * LP)],
            idx_all)

        def fire(rr, half, buf, sem):
            off = pl.multiple_of(rr * LP + half * LPH, 8)
            return pltpu.async_copy(
                w_hbm.at[idx_all.at[pl.ds(off, LPH)]], buf, sem)

        def wait(buf, sem):
            pltpu.make_async_copy(w_hbm.at[idx_all.at[pl.ds(0, LPH)]],
                                  buf, sem).wait()

        def accum(buf, acc):
            def body(l, a):
                return tuple(
                    a[c] + buf[l, pl.ds(c * 16, 16)] for c in range(NCH)
                )

            return lax.fori_loop(0, LPH, body, acc)

        def row_pair(r, slot, cur, nxt):
            (b0, s0), (b1, s1) = cur
            wait(b0, s0)
            acc = accum(
                b0, tuple(jnp.zeros((16,), jnp.float32) for _ in range(NCH)))
            wait(b1, s1)

            @pl.when(r + 2 < rows_per_w)
            def _():
                fire(r + 2, 0, b0, s0)

            acc = accum(b1, acc)

            @pl.when(r + 2 < rows_per_w)
            def _():
                fire(r + 2, 1, b1, s1)

            for c in range(NCH):
                obuf[slot, pl.ds(c * 16, 16)] = acc[c]

        fire(0, 0, buf_a, sem_a)
        fire(0, 1, buf_b, sem_b)
        fire(1, 0, buf_c, sem_c)
        fire(1, 1, buf_d, sem_d)

        @pl.loop(0, rows_per_w, step=GRP)
        def _(r0):
            for j in range(0, GRP, 2):
                r = r0 + j
                row_pair(r, j, ((buf_a, sem_a), (buf_b, sem_b)),
                         ((buf_c, sem_c), (buf_d, sem_d)))
                row_pair(r + 1, j + 1, ((buf_c, sem_c), (buf_d, sem_d)),
                         ((buf_a, sem_a), (buf_b, sem_b)))
            pltpu.sync_copy(obuf, out_hbm.at[pl.ds(base + r0, GRP)])

    return pool_kernel(W, idx_flat)


def _tc_norm(psum, idx, gamma, beta, rows):
    blk = 256

    def body(ps_ref, idx_ref, g_ref, b_ref, o_ref):
        s = ps_ref[...]
        cnt = jnp.sum((idx_ref[...] != 0).astype(jnp.float32), axis=1,
                      keepdims=True)
        p = s / cnt
        mu = jnp.mean(p, axis=1, keepdims=True)
        var = jnp.mean((p - mu) ** 2, axis=1, keepdims=True)
        o_ref[...] = (p - mu) * lax.rsqrt(var + EPS) * g_ref[...] + b_ref[...]

    return pl.pallas_call(
        body,
        grid=(rows // blk,),
        in_specs=[
            pl.BlockSpec((blk, DIM), lambda i: (i, 0)),
            pl.BlockSpec((blk, L), lambda i: (i, 0)),
            pl.BlockSpec((1, DIM), lambda i: (0, 0)),
            pl.BlockSpec((1, DIM), lambda i: (0, 0)),
        ],
        out_specs=pl.BlockSpec((blk, DIM), lambda i: (i, 0)),
        out_shape=jax.ShapeDtypeStruct((rows, DIM), jnp.float32),
    )(psum, idx, gamma.reshape(1, DIM), beta.reshape(1, DIM))


def kernel(x_s, x_t, W, gamma, beta):
    b = x_s.shape[0]
    rows = 2 * b
    idx = jnp.concatenate([x_s, x_t], axis=0)
    idx_flat = jnp.pad(idx, ((0, 0), (0, LP - L))).reshape(-1)
    psum = _sc_pool(W, idx_flat, rows)
    out = _tc_norm(psum, idx, gamma, beta, rows)
    return out[:b], out[b:]

# --- scband reference (transcript-rebuilt; emitter-appended) ---
"""Pipeline reference for scband-embedding-30425548324931 (READ-ONLY COPY).

The authoritative reference and input builder live on the scoring server;
editing this copy changes nothing except your own understanding.
"""

import jax, jax.numpy as jnp
import numpy as np

VOCAB = 100000
DIM = 128
B = 4096
L = 200
EPS = 1e-12
PAD = 0


def setup_inputs(seed: int = 0) -> dict:
    key = jax.random.key(seed)
    k1, k2, k3 = jax.random.split(key, 3)
    x_s = jax.random.randint(k1, (B, L), 0, VOCAB)
    x_t = jax.random.randint(k2, (B, L), 0, VOCAB)
    W = jax.random.normal(k3, (VOCAB, DIM), dtype=jnp.float32) * 0.02
    W = W.at[PAD].set(0.0)  # padding_idx row is zero, matching nn.Embedding(padding_idx=0)
    gamma = jnp.ones((DIM,), dtype=jnp.float32)
    beta = jnp.zeros((DIM,), dtype=jnp.float32)
    return {"x_s": x_s, "x_t": x_t, "W": W, "gamma": gamma, "beta": beta}


def _layer_norm(x, gamma, beta):
    mu = jnp.mean(x, axis=-1, keepdims=True)
    var = jnp.mean((x - mu) ** 2, axis=-1, keepdims=True)
    return (x - mu) / jnp.sqrt(var + EPS) * gamma + beta


def _embed_pool(idx, W):
    # gather embeddings; padding_idx rows contribute zero (row PAD of W is zero;
    # the where also guarantees no gradient flows to the pad row)
    emb = jnp.where((idx != PAD)[..., None], jnp.take(W, idx, axis=0), 0.0)
    s = jnp.sum(emb, axis=1)
    cnt = jnp.sum(idx != PAD, axis=1).astype(jnp.float32)[:, None]
    return s / cnt


def reference(x_s, x_t, W, gamma, beta):
    emb_V = _layer_norm(_embed_pool(x_s, W), gamma, beta)
    emb_E = _layer_norm(_embed_pool(x_t, W), gamma, beta)
    # dropout is identity in eval mode
    return (emb_V, emb_E)

if __name__ == "__main__":
    import jax
    _d = setup_inputs()
    print(jax.jit(kernel)(*tuple(_d.values())))

</pallas_src>

<mosaic_0001>
#map = affine_map<(d0, d1) -> (0, 0)>
#map1 = affine_map<(d0, d1) -> (0)>
module attributes {stable_mosaic.version = 14 : i64} {
  func.func @pool_kernel(%arg0: i32, %arg1: i32, %arg2: memref<100000x128xf32, #tpu.memory_space<hbm>>, %arg3: memref<1703936xi32, #tpu.memory_space<hbm>>, %arg4: memref<8192x128xf32, #tpu.memory_space<hbm>>, %arg5: memref<53248xi32, #tpu.memory_space<vmem>>, %arg6: memref<104x128xf32, #tpu.memory_space<vmem>>, %arg7: memref<104x128xf32, #tpu.memory_space<vmem>>, %arg8: memref<104x128xf32, #tpu.memory_space<vmem>>, %arg9: memref<104x128xf32, #tpu.memory_space<vmem>>, %arg10: memref<4x128xf32, #tpu.memory_space<vmem>>, %arg11: memref<!tpu.dma_semaphore, #tpu.memory_space<semaphore_mem>>, %arg12: memref<!tpu.dma_semaphore, #tpu.memory_space<semaphore_mem>>, %arg13: memref<!tpu.dma_semaphore, #tpu.memory_space<semaphore_mem>>, %arg14: memref<!tpu.dma_semaphore, #tpu.memory_space<semaphore_mem>>) attributes {dimension_semantics = [#tpu.dimension_semantics<core_parallel>, #tpu.dimension_semantics<subcore_parallel>], iteration_bounds = array<i64: 2, 16>, scalar_prefetch = 0 : i64, scratch_operands = 10 : i64, tpu.core_type = #tpu.core_type<sc_vector_subcore>, window_params = [{transform_indices = #map}, {transform_indices = #map1}, {transform_indices = #map}]} {
    %mul3A = arith.constant 16 : i32
    %mul3A_0 = arith.muli %arg0, %mul3A : i32
    %add3A = arith.addi %mul3A_0, %arg1 : i32
    %mul3A_1 = arith.constant 256 : i32
    %mul3A_2 = arith.muli %add3A, %mul3A_1 : i32
    %mul3A_3 = arith.constant 208 : i32
    %mul3A_4 = arith.muli %mul3A_2, %mul3A_3 : i32
    %multiple_of3A = tpu.assume_multiple %mul3A_4, 8 : i32
    "tpu.region"() ({
      %run_scoped3A = tpu.sem_alloc : memref<!tpu.dma_semaphore, #tpu.memory_space<semaphore_mem>>
      %dma_start3A_32 = tpu.memref_slice %arg3[%multiple_of3A] : memref<1703936xi32, #tpu.memory_space<hbm>> -> memref<53248xi32, #tpu.memory_space<hbm>>
      %dma_start3A_33 = tpu.memref_slice %arg3[%multiple_of3A] : memref<1703936xi32, #tpu.memory_space<hbm>> -> memref<53248xi32, #tpu.memory_space<hbm>>
      tpu.enqueue_dma source(%dma_start3A_33 : memref<53248xi32, #tpu.memory_space<hbm>>) target(%arg5 : memref<53248xi32, #tpu.memory_space<vmem>>) target_semaphore(%run_scoped3A : memref<!tpu.dma_semaphore, #tpu.memory_space<semaphore_mem>>)
      %dma_wait3A = tpu.memref_slice %arg3[%multiple_of3A] : memref<1703936xi32, #tpu.memory_space<hbm>> -> memref<53248xi32, #tpu.memory_space<hbm>>
      %dma_wait3A_34 = tpu.memref_slice %arg3[%multiple_of3A] : memref<1703936xi32, #tpu.memory_space<hbm>> -> memref<53248xi32, #tpu.memory_space<hbm>>
      tpu.wait_dma2 semaphore(%run_scoped3A : memref<!tpu.dma_semaphore, #tpu.memory_space<semaphore_mem>>) src(%dma_wait3A_34 : memref<53248xi32, #tpu.memory_space<hbm>>) dst(%arg5 : memref<53248xi32, #tpu.memory_space<vmem>>)
      tpu.yield
    }) : () -> ()
    %multiple_of3A_5 = arith.constant 0 : i32
    %multiple_of3A_6 = tpu.assume_multiple %multiple_of3A_5, 8 : i32
    %dma_start3A = tpu.memref_slice %arg5[%multiple_of3A_6] : memref<53248xi32, #tpu.memory_space<vmem>> -> memref<104xi32, #tpu.memory_space<vmem>>
    %dma_start3A_7 = arith.constant 0 : i32
    %dma_start3A_8 = arith.constant 0 : i32
    %dma_start3A_9 = tpu.memref_slice %arg2[%dma_start3A_7, %dma_start3A_8] : memref<100000x128xf32, #tpu.memory_space<hbm>> -> memref<100000x128xf32, #tpu.memory_space<hbm>>
    tpu.enqueue_indirect_dma source(%dma_start3A_9 : memref<100000x128xf32, #tpu.memory_space<hbm>>) target(%arg6 : memref<104x128xf32, #tpu.memory_space<vmem>>) offsets(%dma_start3A : memref<104xi32, #tpu.memory_space<vmem>>) semaphore(%arg11 : memref<!tpu.dma_semaphore, #tpu.memory_space<semaphore_mem>>)
    %multiple_of3A_10 = arith.constant 104 : i32
    %multiple_of3A_11 = tpu.assume_multiple %multiple_of3A_10, 8 : i32
    %dma_start3A_12 = tpu.memref_slice %arg5[%multiple_of3A_11] : memref<53248xi32, #tpu.memory_space<vmem>> -> memref<104xi32, #tpu.memory_space<vmem>>
    %dma_start3A_13 = arith.constant 0 : i32
    %dma_start3A_14 = arith.constant 0 : i32
    %dma_start3A_15 = tpu.memref_slice %arg2[%dma_start3A_13, %dma_start3A_14] : memref<100000x128xf32, #tpu.memory_space<hbm>> -> memref<100000x128xf32, #tpu.memory_space<hbm>>
    tpu.enqueue_indirect_dma source(%dma_start3A_15 : memref<100000x128xf32, #tpu.memory_space<hbm>>) target(%arg7 : memref<104x128xf32, #tpu.memory_space<vmem>>) offsets(%dma_start3A_12 : memref<104xi32, #tpu.memory_space<vmem>>) semaphore(%arg12 : memref<!tpu.dma_semaphore, #tpu.memory_space<semaphore_mem>>)
    %multiple_of3A_16 = arith.constant 208 : i32
    %multiple_of3A_17 = tpu.assume_multiple %multiple_of3A_16, 8 : i32
    %dma_start3A_18 = tpu.memref_slice %arg5[%multiple_of3A_17] : memref<53248xi32, #tpu.memory_space<vmem>> -> memref<104xi32, #tpu.memory_space<vmem>>
    %dma_start3A_19 = arith.constant 0 : i32
    %dma_start3A_20 = arith.constant 0 : i32
    %dma_start3A_21 = tpu.memref_slice %arg2[%dma_start3A_19, %dma_start3A_20] : memref<100000x128xf32, #tpu.memory_space<hbm>> -> memref<100000x128xf32, #tpu.memory_space<hbm>>
    tpu.enqueue_indirect_dma source(%dma_start3A_21 : memref<100000x128xf32, #tpu.memory_space<hbm>>) target(%arg8 : memref<104x128xf32, #tpu.memory_space<vmem>>) offsets(%dma_start3A_18 : memref<104xi32, #tpu.memory_space<vmem>>) semaphore(%arg13 : memref<!tpu.dma_semaphore, #tpu.memory_space<semaphore_mem>>)
    %multiple_of3A_22 = arith.constant 312 : i32
    %multiple_of3A_23 = tpu.assume_multiple %multiple_of3A_22, 8 : i32
    %dma_start3A_24 = tpu.memref_slice %arg5[%multiple_of3A_23] : memref<53248xi32, #tpu.memory_space<vmem>> -> memref<104xi32, #tpu.memory_space<vmem>>
    %dma_start3A_25 = arith.constant 0 : i32
    %dma_start3A_26 = arith.constant 0 : i32
    %dma_start3A_27 = tpu.memref_slice %arg2[%dma_start3A_25, %dma_start3A_26] : memref<100000x128xf32, #tpu.memory_space<hbm>> -> memref<100000x128xf32, #tpu.memory_space<hbm>>
    tpu.enqueue_indirect_dma source(%dma_start3A_27 : memref<100000x128xf32, #tpu.memory_space<hbm>>) target(%arg9 : memref<104x128xf32, #tpu.memory_space<vmem>>) offsets(%dma_start3A_24 : memref<104xi32, #tpu.memory_space<vmem>>) semaphore(%arg14 : memref<!tpu.dma_semaphore, #tpu.memory_space<semaphore_mem>>)
    %scan3A = arith.constant 0 : i32
    %scan3A_28 = arith.constant 64 : i32
    %scan3A_29 = arith.addi %scan3A, %scan3A_28 : i32
    %scan3A_30 = arith.constant 1 : i32
    scf.for %scan3A_32 = %scan3A to %scan3A_29 step %scan3A_30  : i32 {
      %mul3A_33 = arith.constant 4 : i32
      %mul3A_34 = arith.muli %scan3A_32, %mul3A_33 : i32
      %add3A_35 = arith.constant 0 : i32
      %add3A_36 = arith.addi %add3A_35, %mul3A_34 : i32
      %add3A_37 = arith.constant 0 : i32
      %add3A_38 = arith.addi %add3A_36, %add3A_37 : i32
      %dma_wait3A = arith.constant 0 : i32
      %dma_wait3A_39 = tpu.memref_slice %arg5[%dma_wait3A] : memref<53248xi32, #tpu.memory_space<vmem>> -> memref<104xi32, #tpu.memory_space<vmem>>
      %dma_wait3A_40 = arith.constant 0 : i32
      %dma_wait3A_41 = arith.constant 0 : i32
      %dma_wait3A_42 = tpu.memref_slice %arg2[%dma_wait3A_40, %dma_wait3A_41] : memref<100000x128xf32, #tpu.memory_space<hbm>> -> memref<100000x128xf32, #tpu.memory_space<hbm>>
      tpu.wait_indirect_dma semaphore(%arg11 : memref<!tpu.dma_semaphore, #tpu.memory_space<semaphore_mem>>) src(%dma_wait3A_42 : memref<100000x128xf32, #tpu.memory_space<hbm>>) dst(%arg6 : memref<104x128xf32, #tpu.memory_space<vmem>>)
      %broadcast_in_dim3A = arith.constant 0.000000e+00 : f32
      %broadcast_in_dim3A_43 = vector.broadcast %broadcast_in_dim3A : f32 to vector<16xf32>
      %broadcast_in_dim3A_44 = arith.constant 0.000000e+00 : f32
      %broadcast_in_dim3A_45 = vector.broadcast %broadcast_in_dim3A_44 : f32 to vector<16xf32>
      %broadcast_in_dim3A_46 = arith.constant 0.000000e+00 : f32
      %broadcast_in_dim3A_47 = vector.broadcast %broadcast_in_dim3A_46 : f32 to vector<16xf32>
      %broadcast_in_dim3A_48 = arith.constant 0.000000e+00 : f32
      %broadcast_in_dim3A_49 = vector.broadcast %broadcast_in_dim3A_48 : f32 to vector<16xf32>
      %broadcast_in_dim3A_50 = arith.constant 0.000000e+00 : f32
      %broadcast_in_dim3A_51 = vector.broadcast %broadcast_in_dim3A_50 : f32 to vector<16xf32>
      %broadcast_in_dim3A_52 = arith.constant 0.000000e+00 : f32
      %broadcast_in_dim3A_53 = vector.broadcast %broadcast_in_dim3A_52 : f32 to vector<16xf32>
      %broadcast_in_dim3A_54 = arith.constant 0.000000e+00 : f32
      %broadcast_in_dim3A_55 = vector.broadcast %broadcast_in_dim3A_54 : f32 to vector<16xf32>
      %broadcast_in_dim3A_56 = arith.constant 0.000000e+00 : f32
      %broadcast_in_dim3A_57 = vector.broadcast %broadcast_in_dim3A_56 : f32 to vector<16xf32>
      %scan3A_58 = arith.constant 0 : i32
      %scan3A_59 = arith.constant 104 : i32
      %scan3A_60 = arith.addi %scan3A_58, %scan3A_59 : i32
      %scan3A_61 = arith.constant 1 : i32
      %scan3A_62:8 = scf.for %scan3A_440 = %scan3A_58 to %scan3A_60 step %scan3A_61 iter_args(%scan3A_441 = %broadcast_in_dim3A_43, %scan3A_442 = %broadcast_in_dim3A_45, %scan3A_443 = %broadcast_in_dim3A_47, %scan3A_444 = %broadcast_in_dim3A_49, %scan3A_445 = %broadcast_in_dim3A_51, %scan3A_446 = %broadcast_in_dim3A_53, %scan3A_447 = %broadcast_in_dim3A_55, %scan3A_448 = %broadcast_in_dim3A_57) -> (vector<16xf32>, vector<16xf32>, vector<16xf32>, vector<16xf32>, vector<16xf32>, vector<16xf32>, vector<16xf32>, vector<16xf32>)  : i32 {
        %get3A = arith.index_cast %scan3A_440 : i32 to index
        %get3A_449 = arith.constant 0 : index
        %get3A_450 = tpu.vector_load %arg6[%get3A, %get3A_449] {strides = array<i32>} : memref<104x128xf32, #tpu.memory_space<vmem>>, vector<1x16xf32>,
        %get3A_451 = vector.shape_cast %get3A_450 : vector<1x16xf32> to vector<16xf32>
        %add3A_452 = arith.addf %scan3A_441, %get3A_451 : vector<16xf32>
        %get3A_453 = arith.index_cast %scan3A_440 : i32 to index
        %get3A_454 = arith.constant 16 : index
        %get3A_455 = tpu.vector_load %arg6[%get3A_453, %get3A_454] {strides = array<i32>} : memref<104x128xf32, #tpu.memory_space<vmem>>, vector<1x16xf32>,
        %get3A_456 = vector.shape_cast %get3A_455 : vector<1x16xf32> to vector<16xf32>
        %add3A_457 = arith.addf %scan3A_442, %get3A_456 : vector<16xf32>
        %get3A_458 = arith.index_cast %scan3A_440 : i32 to index
        %get3A_459 = arith.constant 32 : index
        %get3A_460 = tpu.vector_load %arg6[%get3A_458, %get3A_459] {strides = array<i32>} : memref<104x128xf32, #tpu.memory_space<vmem>>, vector<1x16xf32>,
        %get3A_461 = vector.shape_cast %get3A_460 : vector<1x16xf32> to vector<16xf32>
        %add3A_462 = arith.addf %scan3A_443, %get3A_461 : vector<16xf32>
        %get3A_463 = arith.index_cast %scan3A_440 : i32 to index
        %get3A_464 = arith.constant 48 : index
        %get3A_465 = tpu.vector_load %arg6[%get3A_463, %get3A_464] {strides = array<i32>} : memref<104x128xf32, #tpu.memory_space<vmem>>, vector<1x16xf32>,
        %get3A_466 = vector.shape_cast %get3A_465 : vector<1x16xf32> to vector<16xf32>
        %add3A_467 = arith.addf %scan3A_444, %get3A_466 : vector<16xf32>
        %get3A_468 = arith.index_cast %scan3A_440 : i32 to index
        %get3A_469 = arith.constant 64 : index
        %get3A_470 = tpu.vector_load %arg6[%get3A_468, %get3A_469] {strides = array<i32>} : memref<104x128xf32, #tpu.memory_space<vmem>>, vector<1x16xf32>,
        %get3A_471 = vector.shape_cast %get3A_470 : vector<1x16xf32> to vector<16xf32>
        %add3A_472 = arith.addf %scan3A_445, %get3A_471 : vector<16xf32>
        %get3A_473 = arith.index_cast %scan3A_440 : i32 to index
        %get3A_474 = arith.constant 80 : index
        %get3A_475 = tpu.vector_load %arg6[%get3A_473, %get3A_474] {strides = array<i32>} : memref<104x128xf32, #tpu.memory_space<vmem>>, vector<1x16xf32>,
        %get3A_476 = vector.shape_cast %get3A_475 : vector<1x16xf32> to vector<16xf32>
        %add3A_477 = arith.addf %scan3A_446, %get3A_476 : vector<16xf32>
        %get3A_478 = arith.index_cast %scan3A_440 : i32 to index
        %get3A_479 = arith.constant 96 : index
        %get3A_480 = tpu.vector_load %arg6[%get3A_478, %get3A_479] {strides = array<i32>} : memref<104x128xf32, #tpu.memory_space<vmem>>, vector<1x16xf32>,
        %get3A_481 = vector.shape_cast %get3A_480 : vector<1x16xf32> to vector<16xf32>
        %add3A_482 = arith.addf %scan3A_447, %get3A_481 : vector<16xf32>
        %get3A_483 = arith.index_cast %scan3A_440 : i32 to index
        %get3A_484 = arith.constant 112 : index
        %get3A_485 = tpu.vector_load %arg6[%get3A_483, %get3A_484] {strides = array<i32>} : memref<104x128xf32, #tpu.memory_space<vmem>>, vector<1x16xf32>,
        %get3A_486 = vector.shape_cast %get3A_485 : vector<1x16xf32> to vector<16xf32>
        %add3A_487 = arith.addf %scan3A_448, %get3A_486 : vector<16xf32>
        scf.yield %add3A_452, %add3A_457, %add3A_462, %add3A_467, %add3A_472, %add3A_477, %add3A_482, %add3A_487 : vector<16xf32>, vector<16xf32>, vector<16xf32>, vector<16xf32>, vector<16xf32>, vector<16xf32>, vector<16xf32>, vector<16xf32>
      }
      %scan3A_63 = arith.constant 104 : i32
      %dma_wait3A_64 = arith.constant 0 : i32
      %dma_wait3A_65 = tpu.memref_slice %arg5[%dma_wait3A_64] : memref<53248xi32, #tpu.memory_space<vmem>> -> memref<104xi32, #tpu.memory_space<vmem>>
      %dma_wait3A_66 = arith.constant 0 : i32
      %dma_wait3A_67 = arith.constant 0 : i32
      %dma_wait3A_68 = tpu.memref_slice %arg2[%dma_wait3A_66, %dma_wait3A_67] : memref<100000x128xf32, #tpu.memory_space<hbm>> -> memref<100000x128xf32, #tpu.memory_space<hbm>>
      tpu.wait_indirect_dma semaphore(%arg12 : memref<!tpu.dma_semaphore, #tpu.memory_space<semaphore_mem>>) src(%dma_wait3A_68 : memref<100000x128xf32, #tpu.memory_space<hbm>>) dst(%arg7 : memref<104x128xf32, #tpu.memory_space<vmem>>)
      %add3A_69 = arith.constant 2 : i32
      %add3A_70 = arith.addi %add3A_38, %add3A_69 : i32
      %lt3A = arith.constant 256 : i32
      %lt3A_71 = arith.cmpi slt, %add3A_70, %lt3A : i32
      %convert_element_type3A = arith.extui %lt3A_71 : i1 to i32
      %cond3A = arith.constant 0 : i32
      %cond3A_72 = arith.cmpi ne, %convert_element_type3A, %cond3A : i32
      scf.if %cond3A_72 {
        %add3A_440 = arith.constant 2 : i32
        %add3A_441 = arith.addi %add3A_38, %add3A_440 : i32
        %mul3A_442 = arith.constant 208 : i32
        %mul3A_443 = arith.muli %add3A_441, %mul3A_442 : i32
        %add3A_444 = arith.constant 0 : i32
        %add3A_445 = arith.addi %mul3A_443, %add3A_444 : i32
        %multiple_of3A_446 = tpu.assume_multiple %add3A_445, 8 : i32
        %dma_start3A_447 = tpu.memref_slice %arg5[%multiple_of3A_446] : memref<53248xi32, #tpu.memory_space<vmem>> -> memref<104xi32, #tpu.memory_space<vmem>>
        %dma_start3A_448 = arith.constant 0 : i32
        %dma_start3A_449 = arith.constant 0 : i32
        %dma_start3A_450 = tpu.memref_slice %arg2[%dma_start3A_448, %dma_start3A_449] : memref<100000x128xf32, #tpu.memory_space<hbm>> -> memref<100000x128xf32, #tpu.memory_space<hbm>>
        tpu.enqueue_indirect_dma source(%dma_start3A_450 : memref<100000x128xf32, #tpu.memory_space<hbm>>) target(%arg6 : memref<104x128xf32, #tpu.memory_space<vmem>>) offsets(%dma_start3A_447 : memref<104xi32, #tpu.memory_space<vmem>>) semaphore(%arg11 : memref<!tpu.dma_semaphore, #tpu.memory_space<semaphore_mem>>)
      } else {
      }
      %scan3A_73 = arith.constant 0 : i32
      %scan3A_74 = arith.constant 104 : i32
      %scan3A_75 = arith.addi %scan3A_73, %scan3A_74 : i32
      %scan3A_76 = arith.constant 1 : i32
      %scan3A_77:8 = scf.for %scan3A_440 = %scan3A_73 to %scan3A_75 step %scan3A_76 iter_args(%scan3A_441 = %scan3A_62#0, %scan3A_442 = %scan3A_62#1, %scan3A_443 = %scan3A_62#2, %scan3A_444 = %scan3A_62#3, %scan3A_445 = %scan3A_62#4, %scan3A_446 = %scan3A_62#5, %scan3A_447 = %scan3A_62#6, %scan3A_448 = %scan3A_62#7) -> (vector<16xf32>, vector<16xf32>, vector<16xf32>, vector<16xf32>, vector<16xf32>, vector<16xf32>, vector<16xf32>, vector<16xf32>)  : i32 {
        %get3A = arith.index_cast %scan3A_440 : i32 to index
        %get3A_449 = arith.constant 0 : index
        %get3A_450 = tpu.vector_load %arg7[%get3A, %get3A_449] {strides = array<i32>} : memref<104x128xf32, #tpu.memory_space<vmem>>, vector<1x16xf32>,
        %get3A_451 = vector.shape_cast %get3A_450 : vector<1x16xf32> to vector<16xf32>
        %add3A_452 = arith.addf %scan3A_441, %get3A_451 : vector<16xf32>
        %get3A_453 = arith.index_cast %scan3A_440 : i32 to index
        %get3A_454 = arith.constant 16 : index
        %get3A_455 = tpu.vector_load %arg7[%get3A_453, %get3A_454] {strides = array<i32>} : memref<104x128xf32, #tpu.memory_space<vmem>>, vector<1x16xf32>,
        %get3A_456 = vector.shape_cast %get3A_455 : vector<1x16xf32> to vector<16xf32>
        %add3A_457 = arith.addf %scan3A_442, %get3A_456 : vector<16xf32>
        %get3A_458 = arith.index_cast %scan3A_440 : i32 to index
        %get3A_459 = arith.constant 32 : index
        %get3A_460 = tpu.vector_load %arg7[%get3A_458, %get3A_459] {strides = array<i32>} : memref<104x128xf32, #tpu.memory_space<vmem>>, vector<1x16xf32>,
        %get3A_461 = vector.shape_cast %get3A_460 : vector<1x16xf32> to vector<16xf32>
        %add3A_462 = arith.addf %scan3A_443, %get3A_461 : vector<16xf32>
        %get3A_463 = arith.index_cast %scan3A_440 : i32 to index
        %get3A_464 = arith.constant 48 : index
        %get3A_465 = tpu.vector_load %arg7[%get3A_463, %get3A_464] {strides = array<i32>} : memref<104x128xf32, #tpu.memory_space<vmem>>, vector<1x16xf32>,
        %get3A_466 = vector.shape_cast %get3A_465 : vector<1x16xf32> to vector<16xf32>
        %add3A_467 = arith.addf %scan3A_444, %get3A_466 : vector<16xf32>
        %get3A_468 = arith.index_cast %scan3A_440 : i32 to index
        %get3A_469 = arith.constant 64 : index
        %get3A_470 = tpu.vector_load %arg7[%get3A_468, %get3A_469] {strides = array<i32>} : memref<104x128xf32, #tpu.memory_space<vmem>>, vector<1x16xf32>,
        %get3A_471 = vector.shape_cast %get3A_470 : vector<1x16xf32> to vector<16xf32>
        %add3A_472 = arith.addf %scan3A_445, %get3A_471 : vector<16xf32>
        %get3A_473 = arith.index_cast %scan3A_440 : i32 to index
        %get3A_474 = arith.constant 80 : index
        %get3A_475 = tpu.vector_load %arg7[%get3A_473, %get3A_474] {strides = array<i32>} : memref<104x128xf32, #tpu.memory_space<vmem>>, vector<1x16xf32>,
        %get3A_476 = vector.shape_cast %get3A_475 : vector<1x16xf32> to vector<16xf32>
        %add3A_477 = arith.addf %scan3A_446, %get3A_476 : vector<16xf32>
        %get3A_478 = arith.index_cast %scan3A_440 : i32 to index
        %get3A_479 = arith.constant 96 : index
        %get3A_480 = tpu.vector_load %arg7[%get3A_478, %get3A_479] {strides = array<i32>} : memref<104x128xf32, #tpu.memory_space<vmem>>, vector<1x16xf32>,
        %get3A_481 = vector.shape_cast %get3A_480 : vector<1x16xf32> to vector<16xf32>
        %add3A_482 = arith.addf %scan3A_447, %get3A_481 : vector<16xf32>
        %get3A_483 = arith.index_cast %scan3A_440 : i32 to index
        %get3A_484 = arith.constant 112 : index
        %get3A_485 = tpu.vector_load %arg7[%get3A_483, %get3A_484] {strides = array<i32>} : memref<104x128xf32, #tpu.memory_space<vmem>>, vector<1x16xf32>,
        %get3A_486 = vector.shape_cast %get3A_485 : vector<1x16xf32> to vector<16xf32>
        %add3A_487 = arith.addf %scan3A_448, %get3A_486 : vector<16xf32>
        scf.yield %add3A_452, %add3A_457, %add3A_462, %add3A_467, %add3A_472, %add3A_477, %add3A_482, %add3A_487 : vector<16xf32>, vector<16xf32>, vector<16xf32>, vector<16xf32>, vector<16xf32>, vector<16xf32>, vector<16xf32>, vector<16xf32>
      }
      %scan3A_78 = arith.constant 104 : i32
      %add3A_79 = arith.constant 2 : i32
      %add3A_80 = arith.addi %add3A_38, %add3A_79 : i32
      %lt3A_81 = arith.constant 256 : i32
      %lt3A_82 = arith.cmpi slt, %add3A_80, %lt3A_81 : i32
      %convert_element_type3A_83 = arith.extui %lt3A_82 : i1 to i32
      %cond3A_84 = arith.constant 0 : i32
      %cond3A_85 = arith.cmpi ne, %convert_element_type3A_83, %cond3A_84 : i32
      scf.if %cond3A_85 {
        %add3A_440 = arith.constant 2 : i32
        %add3A_441 = arith.addi %add3A_38, %add3A_440 : i32
        %mul3A_442 = arith.constant 208 : i32
        %mul3A_443 = arith.muli %add3A_441, %mul3A_442 : i32
        %add3A_444 = arith.constant 104 : i32
        %add3A_445 = arith.addi %mul3A_443, %add3A_444 : i32
        %multiple_of3A_446 = tpu.assume_multiple %add3A_445, 8 : i32
        %dma_start3A_447 = tpu.memref_slice %arg5[%multiple_of3A_446] : memref<53248xi32, #tpu.memory_space<vmem>> -> memref<104xi32, #tpu.memory_space<vmem>>
        %dma_start3A_448 = arith.constant 0 : i32
        %dma_start3A_449 = arith.constant 0 : i32
        %dma_start3A_450 = tpu.memref_slice %arg2[%dma_start3A_448, %dma_start3A_449] : memref<100000x128xf32, #tpu.memory_space<hbm>> -> memref<100000x128xf32, #tpu.memory_space<hbm>>
        tpu.enqueue_indirect_dma source(%dma_start3A_450 : memref<100000x128xf32, #tpu.memory_space<hbm>>) target(%arg7 : memref<104x128xf32, #tpu.memory_space<vmem>>) offsets(%dma_start3A_447 : memref<104xi32, #tpu.memory_space<vmem>>) semaphore(%arg12 : memref<!tpu.dma_semaphore, #tpu.memory_space<semaphore_mem>>)
      } else {
      }
      %swap3A = arith.constant 0 : i32
      %swap3A_86 = arith.index_cast %swap3A : i32 to index
      %swap3A_87 = arith.constant 0 : index
      %swap3A_88 = tpu.vector_load %arg10[%swap3A_86, %swap3A_87] {strides = array<i32>} : memref<4x128xf32, #tpu.memory_space<vmem>>, vector<1x16xf32>,
      %swap3A_89 = vector.shape_cast %swap3A_88 : vector<1x16xf32> to vector<16xf32>
      %swap3A_90 = vector.shape_cast %scan3A_77#0 : vector<16xf32> to vector<1x16xf32>
      tpu.vector_store %arg10[%swap3A_86, %swap3A_87], %swap3A_90 {strides = array<i32>} : memref<4x128xf32, #tpu.memory_space<vmem>>, vector<1x16xf32>,
      %swap3A_91 = arith.constant 0 : i32
      %swap3A_92 = arith.index_cast %swap3A_91 : i32 to index
      %swap3A_93 = arith.constant 16 : index
      %swap3A_94 = tpu.vector_load %arg10[%swap3A_92, %swap3A_93] {strides = array<i32>} : memref<4x128xf32, #tpu.memory_space<vmem>>, vector<1x16xf32>,
      %swap3A_95 = vector.shape_cast %swap3A_94 : vector<1x16xf32> to vector<16xf32>
      %swap3A_96 = vector.shape_cast %scan3A_77#1 : vector<16xf32> to vector<1x16xf32>
      tpu.vector_store %arg10[%swap3A_92, %swap3A_93], %swap3A_96 {strides = array<i32>} : memref<4x128xf32, #tpu.memory_space<vmem>>, vector<1x16xf32>,
      %swap3A_97 = arith.constant 0 : i32
      %swap3A_98 = arith.index_cast %swap3A_97 : i32 to index
      %swap3A_99 = arith.constant 32 : index
      %swap3A_100 = tpu.vector_load %arg10[%swap3A_98, %swap3A_99] {strides = array<i32>} : memref<4x128xf32, #tpu.memory_space<vmem>>, vector<1x16xf32>,
      %swap3A_101 = vector.shape_cast %swap3A_100 : vector<1x16xf32> to vector<16xf32>
      %swap3A_102 = vector.shape_cast %scan3A_77#2 : vector<16xf32> to vector<1x16xf32>
      tpu.vector_store %arg10[%swap3A_98, %swap3A_99], %swap3A_102 {strides = array<i32>} : memref<4x128xf32, #tpu.memory_space<vmem>>, vector<1x16xf32>,
      %swap3A_103 = arith.constant 0 : i32
      %swap3A_104 = arith.index_cast %swap3A_103 : i32 to index
      %swap3A_105 = arith.constant 48 : index
      %swap3A_106 = tpu.vector_load %arg10[%swap3A_104, %swap3A_105] {strides = array<i32>} : memref<4x128xf32, #tpu.memory_space<vmem>>, vector<1x16xf32>,
      %swap3A_107 = vector.shape_cast %swap3A_106 : vector<1x16xf32> to vector<16xf32>
      %swap3A_108 = vector.shape_cast %scan3A_77#3 : vector<16xf32> to vector<1x16xf32>
      tpu.vector_store %arg10[%swap3A_104, %swap3A_105], %swap3A_108 {strides = array<i32>} : memref<4x128xf32, #tpu.memory_space<vmem>>, vector<1x16xf32>,
      %swap3A_109 = arith.constant 0 : i32
      %swap3A_110 = arith.index_cast %swap3A_109 : i32 to index
      %swap3A_111 = arith.constant 64 : index
      %swap3A_112 = tpu.vector_load %arg10[%swap3A_110, %swap3A_111] {strides = array<i32>} : memref<4x128xf32, #tpu.memory_space<vmem>>, vector<1x16xf32>,
      %swap3A_113 = vector.shape_cast %swap3A_112 : vector<1x16xf32> to vector<16xf32>
      %swap3A_114 = vector.shape_cast %scan3A_77#4 : vector<16xf32> to vector<1x16xf32>
      tpu.vector_store %arg10[%swap3A_110, %swap3A_111], %swap3A_114 {strides = array<i32>} : memref<4x128xf32, #tpu.memory_space<vmem>>, vector<1x16xf32>,
      %swap3A_115 = arith.constant 0 : i32
      %swap3A_116 = arith.index_cast %swap3A_115 : i32 to index
      %swap3A_117 = arith.constant 80 : index
      %swap3A_118 = tpu.vector_load %arg10[%swap3A_116, %swap3A_117] {strides = array<i32>} : memref<4x128xf32, #tpu.memory_space<vmem>>, vector<1x16xf32>,
      %swap3A_119 = vector.shape_cast %swap3A_118 : vector<1x16xf32> to vector<16xf32>
      %swap3A_120 = vector.shape_cast %scan3A_77#5 : vector<16xf32> to vector<1x16xf32>
      tpu.vector_store %arg10[%swap3A_116, %swap3A_117], %swap3A_120 {strides = array<i32>} : memref<4x128xf32, #tpu.memory_space<vmem>>, vector<1x16xf32>,
      %swap3A_121 = arith.constant 0 : i32
      %swap3A_122 = arith.index_cast %swap3A_121 : i32 to index
      %swap3A_123 = arith.constant 96 : index
      %swap3A_124 = tpu.vector_load %arg10[%swap3A_122, %swap3A_123] {strides = array<i32>} : memref<4x128xf32, #tpu.memory_space<vmem>>, vector<1x16xf32>,
      %swap3A_125 = vector.shape_cast %swap3A_124 : vector<1x16xf32> to vector<16xf32>
      %swap3A_126 = vector.shape_cast %scan3A_77#6 : vector<16xf32> to vector<1x16xf32>
      tpu.vector_store %arg10[%swap3A_122, %swap3A_123], %swap3A_126 {strides = array<i32>} : memref<4x128xf32, #tpu.memory_space<vmem>>, vector<1x16xf32>,
      %swap3A_127 = arith.constant 0 : i32
      %swap3A_128 = arith.index_cast %swap3A_127 : i32 to index
      %swap3A_129 = arith.constant 112 : index
      %swap3A_130 = tpu.vector_load %arg10[%swap3A_128, %swap3A_129] {strides = array<i32>} : memref<4x128xf32, #tpu.memory_space<vmem>>, vector<1x16xf32>,
      %swap3A_131 = vector.shape_cast %swap3A_130 : vector<1x16xf32> to vector<16xf32>
      %swap3A_132 = vector.shape_cast %scan3A_77#7 : vector<16xf32> to vector<1x16xf32>
      tpu.vector_store %arg10[%swap3A_128, %swap3A_129], %swap3A_132 {strides = array<i32>} : memref<4x128xf32, #tpu.memory_space<vmem>>, vector<1x16xf32>,
      %add3A_133 = arith.constant 1 : i32
      %add3A_134 = arith.addi %add3A_38, %add3A_133 : i32
      %dma_wait3A_135 = arith.constant 0 : i32
      %dma_wait3A_136 = tpu.memref_slice %arg5[%dma_wait3A_135] : memref<53248xi32, #tpu.memory_space<vmem>> -> memref<104xi32, #tpu.memory_space<vmem>>
      %dma_wait3A_137 = arith.constant 0 : i32
      %dma_wait3A_138 = arith.constant 0 : i32
      %dma_wait3A_139 = tpu.memref_slice %arg2[%dma_wait3A_137, %dma_wait3A_138] : memref<100000x128xf32, #tpu.memory_space<hbm>> -> memref<100000x128xf32, #tpu.memory_space<hbm>>
      tpu.wait_indirect_dma semaphore(%arg13 : memref<!tpu.dma_semaphore, #tpu.memory_space<semaphore_mem>>) src(%dma_wait3A_139 : memref<100000x128xf32, #tpu.memory_space<hbm>>) dst(%arg8 : memref<104x128xf32, #tpu.memory_space<vmem>>)
      %broadcast_in_dim3A_140 = arith.constant 0.000000e+00 : f32
      %broadcast_in_dim3A_141 = vector.broadcast %broadcast_in_dim3A_140 : f32 to vector<16xf32>
      %broadcast_in_dim3A_142 = arith.constant 0.000000e+00 : f32
      %broadcast_in_dim3A_143 = vector.broadcast %broadcast_in_dim3A_142 : f32 to vector<16xf32>
      %broadcast_in_dim3A_144 = arith.constant 0.000000e+00 : f32
      %broadcast_in_dim3A_145 = vector.broadcast %broadcast_in_dim3A_144 : f32 to vector<16xf32>
      %broadcast_in_dim3A_146 = arith.constant 0.000000e+00 : f32
      %broadcast_in_dim3A_147 = vector.broadcast %broadcast_in_dim3A_146 : f32 to vector<16xf32>
      %broadcast_in_dim3A_148 = arith.constant 0.000000e+00 : f32
      %broadcast_in_dim3A_149 = vector.broadcast %broadcast_in_dim3A_148 : f32 to vector<16xf32>
      %broadcast_in_dim3A_150 = arith.constant 0.000000e+00 : f32
      %broadcast_in_dim3A_151 = vector.broadcast %broadcast_in_dim3A_150 : f32 to vector<16xf32>
      %broadcast_in_dim3A_152 = arith.constant 0.000000e+00 : f32
      %broadcast_in_dim3A_153 = vector.broadcast %broadcast_in_dim3A_152 : f32 to vector<16xf32>
      %broadcast_in_dim3A_154 = arith.constant 0.000000e+00 : f32
      %broadcast_in_dim3A_155 = vector.broadcast %broadcast_in_dim3A_154 : f32 to vector<16xf32>
      %scan3A_156 = arith.constant 0 : i32
      %scan3A_157 = arith.constant 104 : i32
      %scan3A_158 = arith.addi %scan3A_156, %scan3A_157 : i32
      %scan3A_159 = arith.constant 1 : i32
      %scan3A_160:8 = scf.for %scan3A_440 = %scan3A_156 to %scan3A_158 step %scan3A_159 iter_args(%scan3A_441 = %broadcast_in_dim3A_141, %scan3A_442 = %broadcast_in_dim3A_143, %scan3A_443 = %broadcast_in_dim3A_145, %scan3A_444 = %broadcast_in_dim3A_147, %scan3A_445 = %broadcast_in_dim3A_149, %scan3A_446 = %broadcast_in_dim3A_151, %scan3A_447 = %broadcast_in_dim3A_153, %scan3A_448 = %broadcast_in_dim3A_155) -> (vector<16xf32>, vector<16xf32>, vector<16xf32>, vector<16xf32>, vector<16xf32>, vector<16xf32>, vector<16xf32>, vector<16xf32>)  : i32 {
        %get3A = arith.index_cast %scan3A_440 : i32 to index
        %get3A_449 = arith.constant 0 : index
        %get3A_450 = tpu.vector_load %arg8[%get3A, %get3A_449] {strides = array<i32>} : memref<104x128xf32, #tpu.memory_space<vmem>>, vector<1x16xf32>,
        %get3A_451 = vector.shape_cast %get3A_450 : vector<1x16xf32> to vector<16xf32>
        %add3A_452 = arith.addf %scan3A_441, %get3A_451 : vector<16xf32>
        %get3A_453 = arith.index_cast %scan3A_440 : i32 to index
        %get3A_454 = arith.constant 16 : index
        %get3A_455 = tpu.vector_load %arg8[%get3A_453, %get3A_454] {strides = array<i32>} : memref<104x128xf32, #tpu.memory_space<vmem>>, vector<1x16xf32>,
        %get3A_456 = vector.shape_cast %get3A_455 : vector<1x16xf32> to vector<16xf32>
        %add3A_457 = arith.addf %scan3A_442, %get3A_456 : vector<16xf32>
        %get3A_458 = arith.index_cast %scan3A_440 : i32 to index
        %get3A_459 = arith.constant 32 : index
        %get3A_460 = tpu.vector_load %arg8[%get3A_458, %get3A_459] {strides = array<i32>} : memref<104x128xf32, #tpu.memory_space<vmem>>, vector<1x16xf32>,
        %get3A_461 = vector.shape_cast %get3A_460 : vector<1x16xf32> to vector<16xf32>
        %add3A_462 = arith.addf %scan3A_443, %get3A_461 : vector<16xf32>
        %get3A_463 = arith.index_cast %scan3A_440 : i32 to index
        %get3A_464 = arith.constant 48 : index
        %get3A_465 = tpu.vector_load %arg8[%get3A_463, %get3A_464] {strides = array<i32>} : memref<104x128xf32, #tpu.memory_space<vmem>>, vector<1x16xf32>,
        %get3A_466 = vector.shape_cast %get3A_465 : vector<1x16xf32> to vector<16xf32>
        %add3A_467 = arith.addf %scan3A_444, %get3A_466 : vector<16xf32>
        %get3A_468 = arith.index_cast %scan3A_440 : i32 to index
        %get3A_469 = arith.constant 64 : index
        %get3A_470 = tpu.vector_load %arg8[%get3A_468, %get3A_469] {strides = array<i32>} : memref<104x128xf32, #tpu.memory_space<vmem>>, vector<1x16xf32>,
        %get3A_471 = vector.shape_cast %get3A_470 : vector<1x16xf32> to vector<16xf32>
        %add3A_472 = arith.addf %scan3A_445, %get3A_471 : vector<16xf32>
        %get3A_473 = arith.index_cast %scan3A_440 : i32 to index
        %get3A_474 = arith.constant 80 : index
        %get3A_475 = tpu.vector_load %arg8[%get3A_473, %get3A_474] {strides = array<i32>} : memref<104x128xf32, #tpu.memory_space<vmem>>, vector<1x16xf32>,
        %get3A_476 = vector.shape_cast %get3A_475 : vector<1x16xf32> to vector<16xf32>
        %add3A_477 = arith.addf %scan3A_446, %get3A_476 : vector<16xf32>
        %get3A_478 = arith.index_cast %scan3A_440 : i32 to index
        %get3A_479 = arith.constant 96 : index
        %get3A_480 = tpu.vector_load %arg8[%get3A_478, %get3A_479] {strides = array<i32>} : memref<104x128xf32, #tpu.memory_space<vmem>>, vector<1x16xf32>,
        %get3A_481 = vector.shape_cast %get3A_480 : vector<1x16xf32> to vector<16xf32>
        %add3A_482 = arith.addf %scan3A_447, %get3A_481 : vector<16xf32>
        %get3A_483 = arith.index_cast %scan3A_440 : i32 to index
        %get3A_484 = arith.constant 112 : index
        %get3A_485 = tpu.vector_load %arg8[%get3A_483, %get3A_484] {strides = array<i32>} : memref<104x128xf32, #tpu.memory_space<vmem>>, vector<1x16xf32>,
        %get3A_486 = vector.shape_cast %get3A_485 : vector<1x16xf32> to vector<16xf32>
        %add3A_487 = arith.addf %scan3A_448, %get3A_486 : vector<16xf32>
        scf.yield %add3A_452, %add3A_457, %add3A_462, %add3A_467, %add3A_472, %add3A_477, %add3A_482, %add3A_487 : vector<16xf32>, vector<16xf32>, vector<16xf32>, vector<16xf32>, vector<16xf32>, vector<16xf32>, vector<16xf32>, vector<16xf32>
      }
      %scan3A_161 = arith.constant 104 : i32
      %dma_wait3A_162 = arith.constant 0 : i32
      %dma_wait3A_163 = tpu.memref_slice %arg5[%dma_wait3A_162] : memref<53248xi32, #tpu.memory_space<vmem>> -> memref<104xi32, #tpu.memory_space<vmem>>
      %dma_wait3A_164 = arith.constant 0 : i32
      %dma_wait3A_165 = arith.constant 0 : i32
      %dma_wait3A_166 = tpu.memref_slice %arg2[%dma_wait3A_164, %dma_wait3A_165] : memref<100000x128xf32, #tpu.memory_space<hbm>> -> memref<100000x128xf32, #tpu.memory_space<hbm>>
      tpu.wait_indirect_dma semaphore(%arg14 : memref<!tpu.dma_semaphore, #tpu.memory_space<semaphore_mem>>) src(%dma_wait3A_166 : memref<100000x128xf32, #tpu.memory_space<hbm>>) dst(%arg9 : memref<104x128xf32, #tpu.memory_space<vmem>>)
      %add3A_167 = arith.constant 2 : i32
      %add3A_168 = arith.addi %add3A_134, %add3A_167 : i32
      %lt3A_169 = arith.constant 256 : i32
      %lt3A_170 = arith.cmpi slt, %add3A_168, %lt3A_169 : i32
      %convert_element_type3A_171 = arith.extui %lt3A_170 : i1 to i32
      %cond3A_172 = arith.constant 0 : i32
      %cond3A_173 = arith.cmpi ne, %convert_element_type3A_171, %cond3A_172 : i32
      scf.if %cond3A_173 {
        %add3A_440 = arith.constant 2 : i32
        %add3A_441 = arith.addi %add3A_134, %add3A_440 : i32
        %mul3A_442 = arith.constant 208 : i32
        %mul3A_443 = arith.muli %add3A_441, %mul3A_442 : i32
        %add3A_444 = arith.constant 0 : i32
        %add3A_445 = arith.addi %mul3A_443, %add3A_444 : i32
        %multiple_of3A_446 = tpu.assume_multiple %add3A_445, 8 : i32
        %dma_start3A_447 = tpu.memref_slice %arg5[%multiple_of3A_446] : memref<53248xi32, #tpu.memory_space<vmem>> -> memref<104xi32, #tpu.memory_space<vmem>>
        %dma_start3A_448 = arith.constant 0 : i32
        %dma_start3A_449 = arith.constant 0 : i32
        %dma_start3A_450 = tpu.memref_slice %arg2[%dma_start3A_448, %dma_start3A_449] : memref<100000x128xf32, #tpu.memory_space<hbm>> -> memref<100000x128xf32, #tpu.memory_space<hbm>>
        tpu.enqueue_indirect_dma source(%dma_start3A_450 : memref<100000x128xf32, #tpu.memory_space<hbm>>) target(%arg8 : memref<104x128xf32, #tpu.memory_space<vmem>>) offsets(%dma_start3A_447 : memref<104xi32, #tpu.memory_space<vmem>>) semaphore(%arg13 : memref<!tpu.dma_semaphore, #tpu.memory_space<semaphore_mem>>)
      } else {
      }
      %scan3A_174 = arith.constant 0 : i32
      %scan3A_175 = arith.constant 104 : i32
      %scan3A_176 = arith.addi %scan3A_174, %scan3A_175 : i32
      %scan3A_177 = arith.constant 1 : i32
      %scan3A_178:8 = scf.for %scan3A_440 = %scan3A_174 to %scan3A_176 step %scan3A_177 iter_args(%scan3A_441 = %scan3A_160#0, %scan3A_442 = %scan3A_160#1, %scan3A_443 = %scan3A_160#2, %scan3A_444 = %scan3A_160#3, %scan3A_445 = %scan3A_160#4, %scan3A_446 = %scan3A_160#5, %scan3A_447 = %scan3A_160#6, %scan3A_448 = %scan3A_160#7) -> (vector<16xf32>, vector<16xf32>, vector<16xf32>, vector<16xf32>, vector<16xf32>, vector<16xf32>, vector<16xf32>, vector<16xf32>)  : i32 {
        %get3A = arith.index_cast %scan3A_440 : i32 to index
        %get3A_449 = arith.constant 0 : index
        %get3A_450 = tpu.vector_load %arg9[%get3A, %get3A_449] {strides = array<i32>} : memref<104x128xf32, #tpu.memory_space<vmem>>, vector<1x16xf32>,
        %get3A_451 = vector.shape_cast %get3A_450 : vector<1x16xf32> to vector<16xf32>
        %add3A_452 = arith.addf %scan3A_441, %get3A_451 : vector<16xf32>
        %get3A_453 = arith.index_cast %scan3A_440 : i32 to index
        %get3A_454 = arith.constant 16 : index
        %get3A_455 = tpu.vector_load %arg9[%get3A_453, %get3A_454] {strides = array<i32>} : memref<104x128xf32, #tpu.memory_space<vmem>>, vector<1x16xf32>,
        %get3A_456 = vector.shape_cast %get3A_455 : vector<1x16xf32> to vector<16xf32>
        %add3A_457 = arith.addf %scan3A_442, %get3A_456 : vector<16xf32>
        %get3A_458 = arith.index_cast %scan3A_440 : i32 to index
        %get3A_459 = arith.constant 32 : index
        %get3A_460 = tpu.vector_load %arg9[%get3A_458, %get3A_459] {strides = array<i32>} : memref<104x128xf32, #tpu.memory_space<vmem>>, vector<1x16xf32>,
        %get3A_461 = vector.shape_cast %get3A_460 : vector<1x16xf32> to vector<16xf32>
        %add3A_462 = arith.addf %scan3A_443, %get3A_461 : vector<16xf32>
        %get3A_463 = arith.index_cast %scan3A_440 : i32 to index
        %get3A_464 = arith.constant 48 : index
        %get3A_465 = tpu.vector_load %arg9[%get3A_463, %get3A_464] {strides = array<i32>} : memref<104x128xf32, #tpu.memory_space<vmem>>, vector<1x16xf32>,
        %get3A_466 = vector.shape_cast %get3A_465 : vector<1x16xf32> to vector<16xf32>
        %add3A_467 = arith.addf %scan3A_444, %get3A_466 : vector<16xf32>
        %get3A_468 = arith.index_cast %scan3A_440 : i32 to index
        %get3A_469 = arith.constant 64 : index
        %get3A_470 = tpu.vector_load %arg9[%get3A_468, %get3A_469] {strides = array<i32>} : memref<104x128xf32, #tpu.memory_space<vmem>>, vector<1x16xf32>,
        %get3A_471 = vector.shape_cast %get3A_470 : vector<1x16xf32> to vector<16xf32>
        %add3A_472 = arith.addf %scan3A_445, %get3A_471 : vector<16xf32>
        %get3A_473 = arith.index_cast %scan3A_440 : i32 to index
        %get3A_474 = arith.constant 80 : index
        %get3A_475 = tpu.vector_load %arg9[%get3A_473, %get3A_474] {strides = array<i32>} : memref<104x128xf32, #tpu.memory_space<vmem>>, vector<1x16xf32>,
        %get3A_476 = vector.shape_cast %get3A_475 : vector<1x16xf32> to vector<16xf32>
        %add3A_477 = arith.addf %scan3A_446, %get3A_476 : vector<16xf32>
        %get3A_478 = arith.index_cast %scan3A_440 : i32 to index
        %get3A_479 = arith.constant 96 : index
        %get3A_480 = tpu.vector_load %arg9[%get3A_478, %get3A_479] {strides = array<i32>} : memref<104x128xf32, #tpu.memory_space<vmem>>, vector<1x16xf32>,
        %get3A_481 = vector.shape_cast %get3A_480 : vector<1x16xf32> to vector<16xf32>
        %add3A_482 = arith.addf %scan3A_447, %get3A_481 : vector<16xf32>
        %get3A_483 = arith.index_cast %scan3A_440 : i32 to index
        %get3A_484 = arith.constant 112 : index
        %get3A_485 = tpu.vector_load %arg9[%get3A_483, %get3A_484] {strides = array<i32>} : memref<104x128xf32, #tpu.memory_space<vmem>>, vector<1x16xf32>,
        %get3A_486 = vector.shape_cast %get3A_485 : vector<1x16xf32> to vector<16xf32>
        %add3A_487 = arith.addf %scan3A_448, %get3A_486 : vector<16xf32>
        scf.yield %add3A_452, %add3A_457, %add3A_462, %add3A_467, %add3A_472, %add3A_477, %add3A_482, %add3A_487 : vector<16xf32>, vector<16xf32>, vector<16xf32>, vector<16xf32>, vector<16xf32>, vector<16xf32>, vector<16xf32>, vector<16xf32>
      }
      %scan3A_179 = arith.constant 104 : i32
      %add3A_180 = arith.constant 2 : i32
      %add3A_181 = arith.addi %add3A_134, %add3A_180 : i32
      %lt3A_182 = arith.constant 256 : i32
      %lt3A_183 = arith.cmpi slt, %add3A_181, %lt3A_182 : i32
      %convert_element_type3A_184 = arith.extui %lt3A_183 : i1 to i32
      %cond3A_185 = arith.constant 0 : i32
      %cond3A_186 = arith.cmpi ne, %convert_element_type3A_184, %cond3A_185 : i32
      scf.if %cond3A_186 {
        %add3A_440 = arith.constant 2 : i32
        %add3A_441 = arith.addi %add3A_134, %add3A_440 : i32
        %mul3A_442 = arith.constant 208 : i32
        %mul3A_443 = arith.muli %add3A_441, %mul3A_442 : i32
        %add3A_444 = arith.constant 104 : i32
        %add3A_445 = arith.addi %mul3A_443, %add3A_444 : i32
        %multiple_of3A_446 = tpu.assume_multiple %add3A_445, 8 : i32
        %dma_start3A_447 = tpu.memref_slice %arg5[%multiple_of3A_446] : memref<53248xi32, #tpu.memory_space<vmem>> -> memref<104xi32, #tpu.memory_space<vmem>>
        %dma_start3A_448 = arith.constant 0 : i32
        %dma_start3A_449 = arith.constant 0 : i32
        %dma_start3A_450 = tpu.memref_slice %arg2[%dma_start3A_448, %dma_start3A_449] : memref<100000x128xf32, #tpu.memory_space<hbm>> -> memref<100000x128xf32, #tpu.memory_space<hbm>>
        tpu.enqueue_indirect_dma source(%dma_start3A_450 : memref<100000x128xf32, #tpu.memory_space<hbm>>) target(%arg9 : memref<104x128xf32, #tpu.memory_space<vmem>>) offsets(%dma_start3A_447 : memref<104xi32, #tpu.memory_space<vmem>>) semaphore(%arg14 : memref<!tpu.dma_semaphore, #tpu.memory_space<semaphore_mem>>)
      } else {
      }
      %swap3A_187 = arith.constant 1 : i32
      %swap3A_188 = arith.index_cast %swap3A_187 : i32 to index
      %swap3A_189 = arith.constant 0 : index
      %swap3A_190 = tpu.vector_load %arg10[%swap3A_188, %swap3A_189] {strides = array<i32>} : memref<4x128xf32, #tpu.memory_space<vmem>>, vector<1x16xf32>,
      %swap3A_191 = vector.shape_cast %swap3A_190 : vector<1x16xf32> to vector<16xf32>
      %swap3A_192 = vector.shape_cast %scan3A_178#0 : vector<16xf32> to vector<1x16xf32>
      tpu.vector_store %arg10[%swap3A_188, %swap3A_189], %swap3A_192 {strides = array<i32>} : memref<4x128xf32, #tpu.memory_space<vmem>>, vector<1x16xf32>,
      %swap3A_193 = arith.constant 1 : i32
      %swap3A_194 = arith.index_cast %swap3A_193 : i32 to index
      %swap3A_195 = arith.constant 16 : index
      %swap3A_196 = tpu.vector_load %arg10[%swap3A_194, %swap3A_195] {strides = array<i32>} : memref<4x128xf32, #tpu.memory_space<vmem>>, vector<1x16xf32>,
      %swap3A_197 = vector.shape_cast %swap3A_196 : vector<1x16xf32> to vector<16xf32>
      %swap3A_198 = vector.shape_cast %scan3A_178#1 : vector<16xf32> to vector<1x16xf32>
      tpu.vector_store %arg10[%swap3A_194, %swap3A_195], %swap3A_198 {strides = array<i32>} : memref<4x128xf32, #tpu.memory_space<vmem>>, vector<1x16xf32>,
      %swap3A_199 = arith.constant 1 : i32
      %swap3A_200 = arith.index_cast %swap3A_199 : i32 to index
      %swap3A_201 = arith.constant 32 : index
      %swap3A_202 = tpu.vector_load %arg10[%swap3A_200, %swap3A_201] {strides = array<i32>} : memref<4x128xf32, #tpu.memory_space<vmem>>, vector<1x16xf32>,
      %swap3A_203 = vector.shape_cast %swap3A_202 : vector<1x16xf32> to vector<16xf32>
      %swap3A_204 = vector.shape_cast %scan3A_178#2 : vector<16xf32> to vector<1x16xf32>
      tpu.vector_store %arg10[%swap3A_200, %swap3A_201], %swap3A_204 {strides = array<i32>} : memref<4x128xf32, #tpu.memory_space<vmem>>, vector<1x16xf32>,
      %swap3A_205 = arith.constant 1 : i32
      %swap3A_206 = arith.index_cast %swap3A_205 : i32 to index
      %swap3A_207 = arith.constant 48 : index
      %swap3A_208 = tpu.vector_load %arg10[%swap3A_206, %swap3A_207] {strides = array<i32>} : memref<4x128xf32, #tpu.memory_space<vmem>>, vector<1x16xf32>,
      %swap3A_209 = vector.shape_cast %swap3A_208 : vector<1x16xf32> to vector<16xf32>
      %swap3A_210 = vector.shape_cast %scan3A_178#3 : vector<16xf32> to vector<1x16xf32>
      tpu.vector_store %arg10[%swap3A_206, %swap3A_207], %swap3A_210 {strides = array<i32>} : memref<4x128xf32, #tpu.memory_space<vmem>>, vector<1x16xf32>,
      %swap3A_211 = arith.constant 1 : i32
      %swap3A_212 = arith.index_cast %swap3A_211 : i32 to index
      %swap3A_213 = arith.constant 64 : index
      %swap3A_214 = tpu.vector_load %arg10[%swap3A_212, %swap3A_213] {strides = array<i32>} : memref<4x128xf32, #tpu.memory_space<vmem>>, vector<1x16xf32>,
      %swap3A_215 = vector.shape_cast %swap3A_214 : vector<1x16xf32> to vector<16xf32>
      %swap3A_216 = vector.shape_cast %scan3A_178#4 : vector<16xf32> to vector<1x16xf32>
      tpu.vector_store %arg10[%swap3A_212, %swap3A_213], %swap3A_216 {strides = array<i32>} : memref<4x128xf32, #tpu.memory_space<vmem>>, vector<1x16xf32>,
      %swap3A_217 = arith.constant 1 : i32
      %swap3A_218 = arith.index_cast %swap3A_217 : i32 to index
      %swap3A_219 = arith.constant 80 : index
      %swap3A_220 = tpu.vector_load %arg10[%swap3A_218, %swap3A_219] {strides = array<i32>} : memref<4x128xf32, #tpu.memory_space<vmem>>, vector<1x16xf32>,
      %swap3A_221 = vector.shape_cast %swap3A_220 : vector<1x16xf32> to vector<16xf32>
      %swap3A_222 = vector.shape_cast %scan3A_178#5 : vector<16xf32> to vector<1x16xf32>
      tpu.vector_store %arg10[%swap3A_218, %swap3A_219], %swap3A_222 {strides = array<i32>} : memref<4x128xf32, #tpu.memory_space<vmem>>, vector<1x16xf32>,
      %swap3A_223 = arith.constant 1 : i32
      %swap3A_224 = arith.index_cast %swap3A_223 : i32 to index
      %swap3A_225 = arith.constant 96 : index
      %swap3A_226 = tpu.vector_load %arg10[%swap3A_224, %swap3A_225] {strides = array<i32>} : memref<4x128xf32, #tpu.memory_space<vmem>>, vector<1x16xf32>,
      %swap3A_227 = vector.shape_cast %swap3A_226 : vector<1x16xf32> to vector<16xf32>
      %swap3A_228 = vector.shape_cast %scan3A_178#6 : vector<16xf32> to vector<1x16xf32>
      tpu.vector_store %arg10[%swap3A_224, %swap3A_225], %swap3A_228 {strides = array<i32>} : memref<4x128xf32, #tpu.memory_space<vmem>>, vector<1x16xf32>,
      %swap3A_229 = arith.constant 1 : i32
      %swap3A_230 = arith.index_cast %swap3A_229 : i32 to index
      %swap3A_231 = arith.constant 112 : index
      %swap3A_232 = tpu.vector_load %arg10[%swap3A_230, %swap3A_231] {strides = array<i32>} : memref<4x128xf32, #tpu.memory_space<vmem>>, vector<1x16xf32>,
      %swap3A_233 = vector.shape_cast %swap3A_232 : vector<1x16xf32> to vector<16xf32>
      %swap3A_234 = vector.shape_cast %scan3A_178#7 : vector<16xf32> to vector<1x16xf32>
      tpu.vector_store %arg10[%swap3A_230, %swap3A_231], %swap3A_234 {strides = array<i32>} : memref<4x128xf32, #tpu.memory_space<vmem>>, vector<1x16xf32>,
      %add3A_235 = arith.constant 2 : i32
      %add3A_236 = arith.addi %add3A_36, %add3A_235 : i32
      %dma_wait3A_237 = arith.constant 0 : i32
      %dma_wait3A_238 = tpu.memref_slice %arg5[%dma_wait3A_237] : memref<53248xi32, #tpu.memory_space<vmem>> -> memref<104xi32, #tpu.memory_space<vmem>>
      %dma_wait3A_239 = arith.constant 0 : i32
      %dma_wait3A_240 = arith.constant 0 : i32
      %dma_wait3A_241 = tpu.memref_slice %arg2[%dma_wait3A_239, %dma_wait3A_240] : memref<100000x128xf32, #tpu.memory_space<hbm>> -> memref<100000x128xf32, #tpu.memory_space<hbm>>
      tpu.wait_indirect_dma semaphore(%arg11 : memref<!tpu.dma_semaphore, #tpu.memory_space<semaphore_mem>>) src(%dma_wait3A_241 : memref<100000x128xf32, #tpu.memory_space<hbm>>) dst(%arg6 : memref<104x128xf32, #tpu.memory_space<vmem>>)
      %broadcast_in_dim3A_242 = arith.constant 0.000000e+00 : f32
      %broadcast_in_dim3A_243 = vector.broadcast %broadcast_in_dim3A_242 : f32 to vector<16xf32>
      %broadcast_in_dim3A_244 = arith.constant 0.000000e+00 : f32
      %broadcast_in_dim3A_245 = vector.broadcast %broadcast_in_dim3A_244 : f32 to vector<16xf32>
      %broadcast_in_dim3A_246 = arith.constant 0.000000e+00 : f32
      %broadcast_in_dim3A_247 = vector.broadcast %broadcast_in_dim3A_246 : f32 to vector<16xf32>
      %broadcast_in_dim3A_248 = arith.constant 0.000000e+00 : f32
      %broadcast_in_dim3A_249 = vector.broadcast %broadcast_in_dim3A_248 : f32 to vector<16xf32>
      %broadcast_in_dim3A_250 = arith.constant 0.000000e+00 : f32
      %broadcast_in_dim3A_251 = vector.broadcast %broadcast_in_dim3A_250 : f32 to vector<16xf32>
      %broadcast_in_dim3A_252 = arith.constant 0.000000e+00 : f32
      %broadcast_in_dim3A_253 = vector.broadcast %broadcast_in_dim3A_252 : f32 to vector<16xf32>
      %broadcast_in_dim3A_254 = arith.constant 0.000000e+00 : f32
      %broadcast_in_dim3A_255 = vector.broadcast %broadcast_in_dim3A_254 : f32 to vector<16xf32>
      %broadcast_in_dim3A_256 = arith.constant 0.000000e+00 : f32
      %broadcast_in_dim3A_257 = vector.broadcast %broadcast_in_dim3A_256 : f32 to vector<16xf32>
      %scan3A_258 = arith.constant 0 : i32
      %scan3A_259 = arith.constant 104 : i32
      %scan3A_260 = arith.addi %scan3A_258, %scan3A_259 : i32
      %scan3A_261 = arith.constant 1 : i32
      %scan3A_262:8 = scf.for %scan3A_440 = %scan3A_258 to %scan3A_260 step %scan3A_261 iter_args(%scan3A_441 = %broadcast_in_dim3A_243, %scan3A_442 = %broadcast_in_dim3A_245, %scan3A_443 = %broadcast_in_dim3A_247, %scan3A_444 = %broadcast_in_dim3A_249, %scan3A_445 = %broadcast_in_dim3A_251, %scan3A_446 = %broadcast_in_dim3A_253, %scan3A_447 = %broadcast_in_dim3A_255, %scan3A_448 = %broadcast_in_dim3A_257) -> (vector<16xf32>, vector<16xf32>, vector<16xf32>, vector<16xf32>, vector<16xf32>, vector<16xf32>, vector<16xf32>, vector<16xf32>)  : i32 {
        %get3A = arith.index_cast %scan3A_440 : i32 to index
        %get3A_449 = arith.constant 0 : index
        %get3A_450 = tpu.vector_load %arg6[%get3A, %get3A_449] {strides = array<i32>} : memref<104x128xf32, #tpu.memory_space<vmem>>, vector<1x16xf32>,
        %get3A_451 = vector.shape_cast %get3A_450 : vector<1x16xf32> to vector<16xf32>
        %add3A_452 = arith.addf %scan3A_441, %get3A_451 : vector<16xf32>
        %get3A_453 = arith.index_cast %scan3A_440 : i32 to index
        %get3A_454 = arith.constant 16 : index
        %get3A_455 = tpu.vector_load %arg6[%get3A_453, %get3A_454] {strides = array<i32>} : memref<104x128xf32, #tpu.memory_space<vmem>>, vector<1x16xf32>,
        %get3A_456 = vector.shape_cast %get3A_455 : vector<1x16xf32> to vector<16xf32>
        %add3A_457 = arith.addf %scan3A_442, %get3A_456 : vector<16xf32>
        %get3A_458 = arith.index_cast %scan3A_440 : i32 to index
        %get3A_459 = arith.constant 32 : index
        %get3A_460 = tpu.vector_load %arg6[%get3A_458, %get3A_459] {strides = array<i32>} : memref<104x128xf32, #tpu.memory_space<vmem>>, vector<1x16xf32>,
        %get3A_461 = vector.shape_cast %get3A_460 : vector<1x16xf32> to vector<16xf32>
        %add3A_462 = arith.addf %scan3A_443, %get3A_461 : vector<16xf32>
        %get3A_463 = arith.index_cast %scan3A_440 : i32 to index
        %get3A_464 = arith.constant 48 : index
        %get3A_465 = tpu.vector_load %arg6[%get3A_463, %get3A_464] {strides = array<i32>} : memref<104x128xf32, #tpu.memory_space<vmem>>, vector<1x16xf32>,
        %get3A_466 = vector.shape_cast %get3A_465 : vector<1x16xf32> to vector<16xf32>
        %add3A_467 = arith.addf %scan3A_444, %get3A_466 : vector<16xf32>
        %get3A_468 = arith.index_cast %scan3A_440 : i32 to index
        %get3A_469 = arith.constant 64 : index
        %get3A_470 = tpu.vector_load %arg6[%get3A_468, %get3A_469] {strides = array<i32>} : memref<104x128xf32, #tpu.memory_space<vmem>>, vector<1x16xf32>,
        %get3A_471 = vector.shape_cast %get3A_470 : vector<1x16xf32> to vector<16xf32>
        %add3A_472 = arith.addf %scan3A_445, %get3A_471 : vector<16xf32>
        %get3A_473 = arith.index_cast %scan3A_440 : i32 to index
        %get3A_474 = arith.constant 80 : index
        %get3A_475 = tpu.vector_load %arg6[%get3A_473, %get3A_474] {strides = array<i32>} : memref<104x128xf32, #tpu.memory_space<vmem>>, vector<1x16xf32>,
        %get3A_476 = vector.shape_cast %get3A_475 : vector<1x16xf32> to vector<16xf32>
        %add3A_477 = arith.addf %scan3A_446, %get3A_476 : vector<16xf32>
        %get3A_478 = arith.index_cast %scan3A_440 : i32 to index
        %get3A_479 = arith.constant 96 : index
        %get3A_480 = tpu.vector_load %arg6[%get3A_478, %get3A_479] {strides = array<i32>} : memref<104x128xf32, #tpu.memory_space<vmem>>, vector<1x16xf32>,
        %get3A_481 = vector.shape_cast %get3A_480 : vector<1x16xf32> to vector<16xf32>
        %add3A_482 = arith.addf %scan3A_447, %get3A_481 : vector<16xf32>
        %get3A_483 = arith.index_cast %scan3A_440 : i32 to index
        %get3A_484 = arith.constant 112 : index
        %get3A_485 = tpu.vector_load %arg6[%get3A_483, %get3A_484] {strides = array<i32>} : memref<104x128xf32, #tpu.memory_space<vmem>>, vector<1x16xf32>,
        %get3A_486 = vector.shape_cast %get3A_485 : vector<1x16xf32> to vector<16xf32>
        %add3A_487 = arith.addf %scan3A_448, %get3A_486 : vector<16xf32>
        scf.yield %add3A_452, %add3A_457, %add3A_462, %add3A_467, %add3A_472, %add3A_477, %add3A_482, %add3A_487 : vector<16xf32>, vector<16xf32>, vector<16xf32>, vector<16xf32>, vector<16xf32>, vector<16xf32>, vector<16xf32>, vector<16xf32>
      }
      %scan3A_263 = arith.constant 104 : i32
      %dma_wait3A_264 = arith.constant 0 : i32
      %dma_wait3A_265 = tpu.memref_slice %arg5[%dma_wait3A_264] : memref<53248xi32, #tpu.memory_space<vmem>> -> memref<104xi32, #tpu.memory_space<vmem>>
      %dma_wait3A_266 = arith.constant 0 : i32
      %dma_wait3A_267 = arith.constant 0 : i32
      %dma_wait3A_268 = tpu.memref_slice %arg2[%dma_wait3A_266, %dma_wait3A_267] : memref<100000x128xf32, #tpu.memory_space<hbm>> -> memref<100000x128xf32, #tpu.memory_space<hbm>>
      tpu.wait_indirect_dma semaphore(%arg12 : memref<!tpu.dma_semaphore, #tpu.memory_space<semaphore_mem>>) src(%dma_wait3A_268 : memref<100000x128xf32, #tpu.memory_space<hbm>>) dst(%arg7 : memref<104x128xf32, #tpu.memory_space<vmem>>)
      %add3A_269 = arith.constant 2 : i32
      %add3A_270 = arith.addi %add3A_236, %add3A_269 : i32
      %lt3A_271 = arith.constant 256 : i32
      %lt3A_272 = arith.cmpi slt, %add3A_270, %lt3A_271 : i32
      %convert_element_type3A_273 = arith.extui %lt3A_272 : i1 to i32
      %cond3A_274 = arith.constant 0 : i32
      %cond3A_275 = arith.cmpi ne, %convert_element_type3A_273, %cond3A_274 : i32
      scf.if %cond3A_275 {
        %add3A_440 = arith.constant 2 : i32
        %add3A_441 = arith.addi %add3A_236, %add3A_440 : i32
        %mul3A_442 = arith.constant 208 : i32
        %mul3A_443 = arith.muli %add3A_441, %mul3A_442 : i32
        %add3A_444 = arith.constant 0 : i32
        %add3A_445 = arith.addi %mul3A_443, %add3A_444 : i32
        %multiple_of3A_446 = tpu.assume_multiple %add3A_445, 8 : i32
        %dma_start3A_447 = tpu.memref_slice %arg5[%multiple_of3A_446] : memref<53248xi32, #tpu.memory_space<vmem>> -> memref<104xi32, #tpu.memory_space<vmem>>
        %dma_start3A_448 = arith.constant 0 : i32
        %dma_start3A_449 = arith.constant 0 : i32
        %dma_start3A_450 = tpu.memref_slice %arg2[%dma_start3A_448, %dma_start3A_449] : memref<100000x128xf32, #tpu.memory_space<hbm>> -> memref<100000x128xf32, #tpu.memory_space<hbm>>
        tpu.enqueue_indirect_dma source(%dma_start3A_450 : memref<100000x128xf32, #tpu.memory_space<hbm>>) target(%arg6 : memref<104x128xf32, #tpu.memory_space<vmem>>) offsets(%dma_start3A_447 : memref<104xi32, #tpu.memory_space<vmem>>) semaphore(%arg11 : memref<!tpu.dma_semaphore, #tpu.memory_space<semaphore_mem>>)
      } else {
      }
      %scan3A_276 = arith.constant 0 : i32
      %scan3A_277 = arith.constant 104 : i32
      %scan3A_278 = arith.addi %scan3A_276, %scan3A_277 : i32
      %scan3A_279 = arith.constant 1 : i32
      %scan3A_280:8 = scf.for %scan3A_440 = %scan3A_276 to %scan3A_278 step %scan3A_279 iter_args(%scan3A_441 = %scan3A_262#0, %scan3A_442 = %scan3A_262#1, %scan3A_443 = %scan3A_262#2, %scan3A_444 = %scan3A_262#3, %scan3A_445 = %scan3A_262#4, %scan3A_446 = %scan3A_262#5, %scan3A_447 = %scan3A_262#6, %scan3A_448 = %scan3A_262#7) -> (vector<16xf32>, vector<16xf32>, vector<16xf32>, vector<16xf32>, vector<16xf32>, vector<16xf32>, vector<16xf32>, vector<16xf32>)  : i32 {
        %get3A = arith.index_cast %scan3A_440 : i32 to index
        %get3A_449 = arith.constant 0 : index
        %get3A_450 = tpu.vector_load %arg7[%get3A, %get3A_449] {strides = array<i32>} : memref<104x128xf32, #tpu.memory_space<vmem>>, vector<1x16xf32>,
        %get3A_451 = vector.shape_cast %get3A_450 : vector<1x16xf32> to vector<16xf32>
        %add3A_452 = arith.addf %scan3A_441, %get3A_451 : vector<16xf32>
        %get3A_453 = arith.index_cast %scan3A_440 : i32 to index
        %get3A_454 = arith.constant 16 : index
        %get3A_455 = tpu.vector_load %arg7[%get3A_453, %get3A_454] {strides = array<i32>} : memref<104x128xf32, #tpu.memory_space<vmem>>, vector<1x16xf32>,
        %get3A_456 = vector.shape_cast %get3A_455 : vector<1x16xf32> to vector<16xf32>
        %add3A_457 = arith.addf %scan3A_442, %get3A_456 : vector<16xf32>
        %get3A_458 = arith.index_cast %scan3A_440 : i32 to index
        %get3A_459 = arith.constant 32 : index
        %get3A_460 = tpu.vector_load %arg7[%get3A_458, %get3A_459] {strides = array<i32>} : memref<104x128xf32, #tpu.memory_space<vmem>>, vector<1x16xf32>,
        %get3A_461 = vector.shape_cast %get3A_460 : vector<1x16xf32> to vector<16xf32>
        %add3A_462 = arith.addf %scan3A_443, %get3A_461 : vector<16xf32>
        %get3A_463 = arith.index_cast %scan3A_440 : i32 to index
        %get3A_464 = arith.constant 48 : index
        %get3A_465 = tpu.vector_load %arg7[%get3A_463, %get3A_464] {strides = array<i32>} : memref<104x128xf32, #tpu.memory_space<vmem>>, vector<1x16xf32>,
        %get3A_466 = vector.shape_cast %get3A_465 : vector<1x16xf32> to vector<16xf32>
        %add3A_467 = arith.addf %scan3A_444, %get3A_466 : vector<16xf32>
        %get3A_468 = arith.index_cast %scan3A_440 : i32 to index
        %get3A_469 = arith.constant 64 : index
        %get3A_470 = tpu.vector_load %arg7[%get3A_468, %get3A_469] {strides = array<i32>} : memref<104x128xf32, #tpu.memory_space<vmem>>, vector<1x16xf32>,
        %get3A_471 = vector.shape_cast %get3A_470 : vector<1x16xf32> to vector<16xf32>
        %add3A_472 = arith.addf %scan3A_445, %get3A_471 : vector<16xf32>
        %get3A_473 = arith.index_cast %scan3A_440 : i32 to index
        %get3A_474 = arith.constant 80 : index
        %get3A_475 = tpu.vector_load %arg7[%get3A_473, %get3A_474] {strides = array<i32>} : memref<104x128xf32, #tpu.memory_space<vmem>>, vector<1x16xf32>,
        %get3A_476 = vector.shape_cast %get3A_475 : vector<1x16xf32> to vector<16xf32>
        %add3A_477 = arith.addf %scan3A_446, %get3A_476 : vector<16xf32>
        %get3A_478 = arith.index_cast %scan3A_440 : i32 to index
        %get3A_479 = arith.constant 96 : index
        %get3A_480 = tpu.vector_load %arg7[%get3A_478, %get3A_479] {strides = array<i32>} : memref<104x128xf32, #tpu.memory_space<vmem>>, vector<1x16xf32>,
        %get3A_481 = vector.shape_cast %get3A_480 : vector<1x16xf32> to vector<16xf32>
        %add3A_482 = arith.addf %scan3A_447, %get3A_481 : vector<16xf32>
        %get3A_483 = arith.index_cast %scan3A_440 : i32 to index
        %get3A_484 = arith.constant 112 : index
        %get3A_485 = tpu.vector_load %arg7[%get3A_483, %get3A_484] {strides = array<i32>} : memref<104x128xf32, #tpu.memory_space<vmem>>, vector<1x16xf32>,
        %get3A_486 = vector.shape_cast %get3A_485 : vector<1x16xf32> to vector<16xf32>
        %add3A_487 = arith.addf %scan3A_448, %get3A_486 : vector<16xf32>
        scf.yield %add3A_452, %add3A_457, %add3A_462, %add3A_467, %add3A_472, %add3A_477, %add3A_482, %add3A_487 : vector<16xf32>, vector<16xf32>, vector<16xf32>, vector<16xf32>, vector<16xf32>, vector<16xf32>, vector<16xf32>, vector<16xf32>
      }
      %scan3A_281 = arith.constant 104 : i32
      %add3A_282 = arith.constant 2 : i32
      %add3A_283 = arith.addi %add3A_236, %add3A_282 : i32
      %lt3A_284 = arith.constant 256 : i32
      %lt3A_285 = arith.cmpi slt, %add3A_283, %lt3A_284 : i32
      %convert_element_type3A_286 = arith.extui %lt3A_285 : i1 to i32
      %cond3A_287 = arith.constant 0 : i32
      %cond3A_288 = arith.cmpi ne, %convert_element_type3A_286, %cond3A_287 : i32
      scf.if %cond3A_288 {
        %add3A_440 = arith.constant 2 : i32
        %add3A_441 = arith.addi %add3A_236, %add3A_440 : i32
        %mul3A_442 = arith.constant 208 : i32
        %mul3A_443 = arith.muli %add3A_441, %mul3A_442 : i32
        %add3A_444 = arith.constant 104 : i32
        %add3A_445 = arith.addi %mul3A_443, %add3A_444 : i32
        %multiple_of3A_446 = tpu.assume_multiple %add3A_445, 8 : i32
        %dma_start3A_447 = tpu.memref_slice %arg5[%multiple_of3A_446] : memref<53248xi32, #tpu.memory_space<vmem>> -> memref<104xi32, #tpu.memory_space<vmem>>
        %dma_start3A_448 = arith.constant 0 : i32
        %dma_start3A_449 = arith.constant 0 : i32
        %dma_start3A_450 = tpu.memref_slice %arg2[%dma_start3A_448, %dma_start3A_449] : memref<100000x128xf32, #tpu.memory_space<hbm>> -> memref<100000x128xf32, #tpu.memory_space<hbm>>
        tpu.enqueue_indirect_dma source(%dma_start3A_450 : memref<100000x128xf32, #tpu.memory_space<hbm>>) target(%arg7 : memref<104x128xf32, #tpu.memory_space<vmem>>) offsets(%dma_start3A_447 : memref<104xi32, #tpu.memory_space<vmem>>) semaphore(%arg12 : memref<!tpu.dma_semaphore, #tpu.memory_space<semaphore_mem>>)
      } else {
      }
      %swap3A_289 = arith.constant 2 : i32
      %swap3A_290 = arith.index_cast %swap3A_289 : i32 to index
      %swap3A_291 = arith.constant 0 : index
      %swap3A_292 = tpu.vector_load %arg10[%swap3A_290, %swap3A_291] {strides = array<i32>} : memref<4x128xf32, #tpu.memory_space<vmem>>, vector<1x16xf32>,
      %swap3A_293 = vector.shape_cast %swap3A_292 : vector<1x16xf32> to vector<16xf32>
      %swap3A_294 = vector.shape_cast %scan3A_280#0 : vector<16xf32> to vector<1x16xf32>
      tpu.vector_store %arg10[%swap3A_290, %swap3A_291], %swap3A_294 {strides = array<i32>} : memref<4x128xf32, #tpu.memory_space<vmem>>, vector<1x16xf32>,
      %swap3A_295 = arith.constant 2 : i32
      %swap3A_296 = arith.index_cast %swap3A_295 : i32 to index
      %swap3A_297 = arith.constant 16 : index
      %swap3A_298 = tpu.vector_load %arg10[%swap3A_296, %swap3A_297] {strides = array<i32>} : memref<4x128xf32, #tpu.memory_space<vmem>>, vector<1x16xf32>,
      %swap3A_299 = vector.shape_cast %swap3A_298 : vector<1x16xf32> to vector<16xf32>
      %swap3A_300 = vector.shape_cast %scan3A_280#1 : vector<16xf32> to vector<1x16xf32>
      tpu.vector_store %arg10[%swap3A_296, %swap3A_297], %swap3A_300 {strides = array<i32>} : memref<4x128xf32, #tpu.memory_space<vmem>>, vector<1x16xf32>,
      %swap3A_301 = arith.constant 2 : i32
      %swap3A_302 = arith.index_cast %swap3A_301 : i32 to index
      %swap3A_303 = arith.constant 32 : index
      %swap3A_304 = tpu.vector_load %arg10[%swap3A_302, %swap3A_303] {strides = array<i32>} : memref<4x128xf32, #tpu.memory_space<vmem>>, vector<1x16xf32>,
      %swap3A_305 = vector.shape_cast %swap3A_304 : vector<1x16xf32> to vector<16xf32>
      %swap3A_306 = vector.shape_cast %scan3A_280#2 : vector<16xf32> to vector<1x16xf32>
      tpu.vector_store %arg10[%swap3A_302, %swap3A_303], %swap3A_306 {strides = array<i32>} : memref<4x128xf32, #tpu.memory_space<vmem>>, vector<1x16xf32>,
      %swap3A_307 = arith.constant 2 : i32
      %swap3A_308 = arith.index_cast %swap3A_307 : i32 to index
      %swap3A_309 = arith.constant 48 : index
      %swap3A_310 = tpu.vector_load %arg10[%swap3A_308, %swap3A_309] {strides = array<i32>} : memref<4x128xf32, #tpu.memory_space<vmem>>, vector<1x16xf32>,
      %swap3A_311 = vector.shape_cast %swap3A_310 : vector<1x16xf32> to vector<16xf32>
      %swap3A_312 = vector.shape_cast %scan3A_280#3 : vector<16xf32> to vector<1x16xf32>
      tpu.vector_store %arg10[%swap3A_308, %swap3A_309], %swap3A_312 {strides = array<i32>} : memref<4x128xf32, #tpu.memory_space<vmem>>, vector<1x16xf32>,
      %swap3A_313 = arith.constant 2 : i32
      %swap3A_314 = arith.index_cast %swap3A_313 : i32 to index
      %swap3A_315 = arith.constant 64 : index
      %swap3A_316 = tpu.vector_load %arg10[%swap3A_314, %swap3A_315] {strides = array<i32>} : memref<4x128xf32, #tpu.memory_space<vmem>>, vector<1x16xf32>,
      %swap3A_317 = vector.shape_cast %swap3A_316 : vector<1x16xf32> to vector<16xf32>
      %swap3A_318 = vector.shape_cast %scan3A_280#4 : vector<16xf32> to vector<1x16xf32>
      tpu.vector_store %arg10[%swap3A_314, %swap3A_315], %swap3A_318 {strides = array<i32>} : memref<4x128xf32, #tpu.memory_space<vmem>>, vector<1x16xf32>,
      %swap3A_319 = arith.constant 2 : i32
      %swap3A_320 = arith.index_cast %swap3A_319 : i32 to index
      %swap3A_321 = arith.constant 80 : index
      %swap3A_322 = tpu.vector_load %arg10[%swap3A_320, %swap3A_321] {strides = array<i32>} : memref<4x128xf32, #tpu.memory_space<vmem>>, vector<1x16xf32>,
      %swap3A_323 = vector.shape_cast %swap3A_322 : vector<1x16xf32> to vector<16xf32>
      %swap3A_324 = vector.shape_cast %scan3A_280#5 : vector<16xf32> to vector<1x16xf32>
      tpu.vector_store %arg10[%swap3A_320, %swap3A_321], %swap3A_324 {strides = array<i32>} : memref<4x128xf32, #tpu.memory_space<vmem>>, vector<1x16xf32>,
      %swap3A_325 = arith.constant 2 : i32
      %swap3A_326 = arith.index_cast %swap3A_325 : i32 to index
      %swap3A_327 = arith.constant 96 : index
      %swap3A_328 = tpu.vector_load %arg10[%swap3A_326, %swap3A_327] {strides = array<i32>} : memref<4x128xf32, #tpu.memory_space<vmem>>, vector<1x16xf32>,
      %swap3A_329 = vector.shape_cast %swap3A_328 : vector<1x16xf32> to vector<16xf32>
      %swap3A_330 = vector.shape_cast %scan3A_280#6 : vector<16xf32> to vector<1x16xf32>
      tpu.vector_store %arg10[%swap3A_326, %swap3A_327], %swap3A_330 {strides = array<i32>} : memref<4x128xf32, #tpu.memory_space<vmem>>, vector<1x16xf32>,
      %swap3A_331 = arith.constant 2 : i32
      %swap3A_332 = arith.index_cast %swap3A_331 : i32 to index
      %swap3A_333 = arith.constant 112 : index
      %swap3A_334 = tpu.vector_load %arg10[%swap3A_332, %swap3A_333] {strides = array<i32>} : memref<4x128xf32, #tpu.memory_space<vmem>>, vector<1x16xf32>,
      %swap3A_335 = vector.shape_cast %swap3A_334 : vector<1x16xf32> to vector<16xf32>
      %swap3A_336 = vector.shape_cast %scan3A_280#7 : vector<16xf32> to vector<1x16xf32>
      tpu.vector_store %arg10[%swap3A_332, %swap3A_333], %swap3A_336 {strides = array<i32>} : memref<4x128xf32, #tpu.memory_space<vmem>>, vector<1x16xf32>,
      %add3A_337 = arith.constant 1 : i32
      %add3A_338 = arith.addi %add3A_236, %add3A_337 : i32
      %dma_wait3A_339 = arith.constant 0 : i32
      %dma_wait3A_340 = tpu.memref_slice %arg5[%dma_wait3A_339] : memref<53248xi32, #tpu.memory_space<vmem>> -> memref<104xi32, #tpu.memory_space<vmem>>
      %dma_wait3A_341 = arith.constant 0 : i32
      %dma_wait3A_342 = arith.constant 0 : i32
      %dma_wait3A_343 = tpu.memref_slice %arg2[%dma_wait3A_341, %dma_wait3A_342] : memref<100000x128xf32, #tpu.memory_space<hbm>> -> memref<100000x128xf32, #tpu.memory_space<hbm>>
      tpu.wait_indirect_dma semaphore(%arg13 : memref<!tpu.dma_semaphore, #tpu.memory_space<semaphore_mem>>) src(%dma_wait3A_343 : memref<100000x128xf32, #tpu.memory_space<hbm>>) dst(%arg8 : memref<104x128xf32, #tpu.memory_space<vmem>>)
      %broadcast_in_dim3A_344 = arith.constant 0.000000e+00 : f32
      %broadcast_in_dim3A_345 = vector.broadcast %broadcast_in_dim3A_344 : f32 to vector<16xf32>
      %broadcast_in_dim3A_346 = arith.constant 0.000000e+00 : f32
      %broadcast_in_dim3A_347 = vector.broadcast %broadcast_in_dim3A_346 : f32 to vector<16xf32>
      %broadcast_in_dim3A_348 = arith.constant 0.000000e+00 : f32
      %broadcast_in_dim3A_349 = vector.broadcast %broadcast_in_dim3A_348 : f32 to vector<16xf32>
      %broadcast_in_dim3A_350 = arith.constant 0.000000e+00 : f32
      %broadcast_in_dim3A_351 = vector.broadcast %broadcast_in_dim3A_350 : f32 to vector<16xf32>
      %broadcast_in_dim3A_352 = arith.constant 0.000000e+00 : f32
      %broadcast_in_dim3A_353 = vector.broadcast %broadcast_in_dim3A_352 : f32 to vector<16xf32>
      %broadcast_in_dim3A_354 = arith.constant 0.000000e+00 : f32
      %broadcast_in_dim3A_355 = vector.broadcast %broadcast_in_dim3A_354 : f32 to vector<16xf32>
      %broadcast_in_dim3A_356 = arith.constant 0.000000e+00 : f32
      %broadcast_in_dim3A_357 = vector.broadcast %broadcast_in_dim3A_356 : f32 to vector<16xf32>
      %broadcast_in_dim3A_358 = arith.constant 0.000000e+00 : f32
      %broadcast_in_dim3A_359 = vector.broadcast %broadcast_in_dim3A_358 : f32 to vector<16xf32>
      %scan3A_360 = arith.constant 0 : i32
      %scan3A_361 = arith.constant 104 : i32
      %scan3A_362 = arith.addi %scan3A_360, %scan3A_361 : i32
      %scan3A_363 = arith.constant 1 : i32
      %scan3A_364:8 = scf.for %scan3A_440 = %scan3A_360 to %scan3A_362 step %scan3A_363 iter_args(%scan3A_441 = %broadcast_in_dim3A_345, %scan3A_442 = %broadcast_in_dim3A_347, %scan3A_443 = %broadcast_in_dim3A_349, %scan3A_444 = %broadcast_in_dim3A_351, %scan3A_445 = %broadcast_in_dim3A_353, %scan3A_446 = %broadcast_in_dim3A_355, %scan3A_447 = %broadcast_in_dim3A_357, %scan3A_448 = %broadcast_in_dim3A_359) -> (vector<16xf32>, vector<16xf32>, vector<16xf32>, vector<16xf32>, vector<16xf32>, vector<16xf32>, vector<16xf32>, vector<16xf32>)  : i32 {
        %get3A = arith.index_cast %scan3A_440 : i32 to index
        %get3A_449 = arith.constant 0 : index
        %get3A_450 = tpu.vector_load %arg8[%get3A, %get3A_449] {strides = array<i32>} : memref<104x128xf32, #tpu.memory_space<vmem>>, vector<1x16xf32>,
        %get3A_451 = vector.shape_cast %get3A_450 : vector<1x16xf32> to vector<16xf32>
        %add3A_452 = arith.addf %scan3A_441, %get3A_451 : vector<16xf32>
        %get3A_453 = arith.index_cast %scan3A_440 : i32 to index
        %get3A_454 = arith.constant 16 : index
        %get3A_455 = tpu.vector_load %arg8[%get3A_453, %get3A_454] {strides = array<i32>} : memref<104x128xf32, #tpu.memory_space<vmem>>, vector<1x16xf32>,
        %get3A_456 = vector.shape_cast %get3A_455 : vector<1x16xf32> to vector<16xf32>
        %add3A_457 = arith.addf %scan3A_442, %get3A_456 : vector<16xf32>
        %get3A_458 = arith.index_cast %scan3A_440 : i32 to index
        %get3A_459 = arith.constant 32 : index
        %get3A_460 = tpu.vector_load %arg8[%get3A_458, %get3A_459] {strides = array<i32>} : memref<104x128xf32, #tpu.memory_space<vmem>>, vector<1x16xf32>,
        %get3A_461 = vector.shape_cast %get3A_460 : vector<1x16xf32> to vector<16xf32>
        %add3A_462 = arith.addf %scan3A_443, %get3A_461 : vector<16xf32>
        %get3A_463 = arith.index_cast %scan3A_440 : i32 to index
        %get3A_464 = arith.constant 48 : index
        %get3A_465 = tpu.vector_load %arg8[%get3A_463, %get3A_464] {strides = array<i32>} : memref<104x128xf32, #tpu.memory_space<vmem>>, vector<1x16xf32>,
        %get3A_466 = vector.shape_cast %get3A_465 : vector<1x16xf32> to vector<16xf32>
        %add3A_467 = arith.addf %scan3A_444, %get3A_466 : vector<16xf32>
        %get3A_468 = arith.index_cast %scan3A_440 : i32 to index
        %get3A_469 = arith.constant 64 : index
        %get3A_470 = tpu.vector_load %arg8[%get3A_468, %get3A_469] {strides = array<i32>} : memref<104x128xf32, #tpu.memory_space<vmem>>, vector<1x16xf32>,
        %get3A_471 = vector.shape_cast %get3A_470 : vector<1x16xf32> to vector<16xf32>
        %add3A_472 = arith.addf %scan3A_445, %get3A_471 : vector<16xf32>
        %get3A_473 = arith.index_cast %scan3A_440 : i32 to index
        %get3A_474 = arith.constant 80 : index
        %get3A_475 = tpu.vector_load %arg8[%get3A_473, %get3A_474] {strides = array<i32>} : memref<104x128xf32, #tpu.memory_space<vmem>>, vector<1x16xf32>,
        %get3A_476 = vector.shape_cast %get3A_475 : vector<1x16xf32> to vector<16xf32>
        %add3A_477 = arith.addf %scan3A_446, %get3A_476 : vector<16xf32>
        %get3A_478 = arith.index_cast %scan3A_440 : i32 to index
        %get3A_479 = arith.constant 96 : index
        %get3A_480 = tpu.vector_load %arg8[%get3A_478, %get3A_479] {strides = array<i32>} : memref<104x128xf32, #tpu.memory_space<vmem>>, vector<1x16xf32>,
        %get3A_481 = vector.shape_cast %get3A_480 : vector<1x16xf32> to vector<16xf32>
        %add3A_482 = arith.addf %scan3A_447, %get3A_481 : vector<16xf32>
        %get3A_483 = arith.index_cast %scan3A_440 : i32 to index
        %get3A_484 = arith.constant 112 : index
        %get3A_485 = tpu.vector_load %arg8[%get3A_483, %get3A_484] {strides = array<i32>} : memref<104x128xf32, #tpu.memory_space<vmem>>, vector<1x16xf32>,
        %get3A_486 = vector.shape_cast %get3A_485 : vector<1x16xf32> to vector<16xf32>
        %add3A_487 = arith.addf %scan3A_448, %get3A_486 : vector<16xf32>
        scf.yield %add3A_452, %add3A_457, %add3A_462, %add3A_467, %add3A_472, %add3A_477, %add3A_482, %add3A_487 : vector<16xf32>, vector<16xf32>, vector<16xf32>, vector<16xf32>, vector<16xf32>, vector<16xf32>, vector<16xf32>, vector<16xf32>
      }
      %scan3A_365 = arith.constant 104 : i32
      %dma_wait3A_366 = arith.constant 0 : i32
      %dma_wait3A_367 = tpu.memref_slice %arg5[%dma_wait3A_366] : memref<53248xi32, #tpu.memory_space<vmem>> -> memref<104xi32, #tpu.memory_space<vmem>>
      %dma_wait3A_368 = arith.constant 0 : i32
      %dma_wait3A_369 = arith.constant 0 : i32
      %dma_wait3A_370 = tpu.memref_slice %arg2[%dma_wait3A_368, %dma_wait3A_369] : memref<100000x128xf32, #tpu.memory_space<hbm>> -> memref<100000x128xf32, #tpu.memory_space<hbm>>
      tpu.wait_indirect_dma semaphore(%arg14 : memref<!tpu.dma_semaphore, #tpu.memory_space<semaphore_mem>>) src(%dma_wait3A_370 : memref<100000x128xf32, #tpu.memory_space<hbm>>) dst(%arg9 : memref<104x128xf32, #tpu.memory_space<vmem>>)
      %add3A_371 = arith.constant 2 : i32
      %add3A_372 = arith.addi %add3A_338, %add3A_371 : i32
      %lt3A_373 = arith.constant 256 : i32
      %lt3A_374 = arith.cmpi slt, %add3A_372, %lt3A_373 : i32
      %convert_element_type3A_375 = arith.extui %lt3A_374 : i1 to i32
      %cond3A_376 = arith.constant 0 : i32
      %cond3A_377 = arith.cmpi ne, %convert_element_type3A_375, %cond3A_376 : i32
      scf.if %cond3A_377 {
        %add3A_440 = arith.constant 2 : i32
        %add3A_441 = arith.addi %add3A_338, %add3A_440 : i32
        %mul3A_442 = arith.constant 208 : i32
        %mul3A_443 = arith.muli %add3A_441, %mul3A_442 : i32
        %add3A_444 = arith.constant 0 : i32
        %add3A_445 = arith.addi %mul3A_443, %add3A_444 : i32
        %multiple_of3A_446 = tpu.assume_multiple %add3A_445, 8 : i32
        %dma_start3A_447 = tpu.memref_slice %arg5[%multiple_of3A_446] : memref<53248xi32, #tpu.memory_space<vmem>> -> memref<104xi32, #tpu.memory_space<vmem>>
        %dma_start3A_448 = arith.constant 0 : i32
        %dma_start3A_449 = arith.constant 0 : i32
        %dma_start3A_450 = tpu.memref_slice %arg2[%dma_start3A_448, %dma_start3A_449] : memref<100000x128xf32, #tpu.memory_space<hbm>> -> memref<100000x128xf32, #tpu.memory_space<hbm>>
        tpu.enqueue_indirect_dma source(%dma_start3A_450 : memref<100000x128xf32, #tpu.memory_space<hbm>>) target(%arg8 : memref<104x128xf32, #tpu.memory_space<vmem>>) offsets(%dma_start3A_447 : memref<104xi32, #tpu.memory_space<vmem>>) semaphore(%arg13 : memref<!tpu.dma_semaphore, #tpu.memory_space<semaphore_mem>>)
      } else {
      }
      %scan3A_378 = arith.constant 0 : i32
      %scan3A_379 = arith.constant 104 : i32
      %scan3A_380 = arith.addi %scan3A_378, %scan3A_379 : i32
      %scan3A_381 = arith.constant 1 : i32
      %scan3A_382:8 = scf.for %scan3A_440 = %scan3A_378 to %scan3A_380 step %scan3A_381 iter_args(%scan3A_441 = %scan3A_364#0, %scan3A_442 = %scan3A_364#1, %scan3A_443 = %scan3A_364#2, %scan3A_444 = %scan3A_364#3, %scan3A_445 = %scan3A_364#4, %scan3A_446 = %scan3A_364#5, %scan3A_447 = %scan3A_364#6, %scan3A_448 = %scan3A_364#7) -> (vector<16xf32>, vector<16xf32>, vector<16xf32>, vector<16xf32>, vector<16xf32>, vector<16xf32>, vector<16xf32>, vector<16xf32>)  : i32 {
        %get3A = arith.index_cast %scan3A_440 : i32 to index
        %get3A_449 = arith.constant 0 : index
        %get3A_450 = tpu.vector_load %arg9[%get3A, %get3A_449] {strides = array<i32>} : memref<104x128xf32, #tpu.memory_space<vmem>>, vector<1x16xf32>,
        %get3A_451 = vector.shape_cast %get3A_450 : vector<1x16xf32> to vector<16xf32>
        %add3A_452 = arith.addf %scan3A_441, %get3A_451 : vector<16xf32>
        %get3A_453 = arith.index_cast %scan3A_440 : i32 to index
        %get3A_454 = arith.constant 16 : index
        %get3A_455 = tpu.vector_load %arg9[%get3A_453, %get3A_454] {strides = array<i32>} : memref<104x128xf32, #tpu.memory_space<vmem>>, vector<1x16xf32>,
        %get3A_456 = vector.shape_cast %get3A_455 : vector<1x16xf32> to vector<16xf32>
        %add3A_457 = arith.addf %scan3A_442, %get3A_456 : vector<16xf32>
        %get3A_458 = arith.index_cast %scan3A_440 : i32 to index
        %get3A_459 = arith.constant 32 : index
        %get3A_460 = tpu.vector_load %arg9[%get3A_458, %get3A_459] {strides = array<i32>} : memref<104x128xf32, #tpu.memory_space<vmem>>, vector<1x16xf32>,
        %get3A_461 = vector.shape_cast %get3A_460 : vector<1x16xf32> to vector<16xf32>
        %add3A_462 = arith.addf %scan3A_443, %get3A_461 : vector<16xf32>
        %get3A_463 = arith.index_cast %scan3A_440 : i32 to index
        %get3A_464 = arith.constant 48 : index
        %get3A_465 = tpu.vector_load %arg9[%get3A_463, %get3A_464] {strides = array<i32>} : memref<104x128xf32, #tpu.memory_space<vmem>>, vector<1x16xf32>,
        %get3A_466 = vector.shape_cast %get3A_465 : vector<1x16xf32> to vector<16xf32>
        %add3A_467 = arith.addf %scan3A_444, %get3A_466 : vector<16xf32>
        %get3A_468 = arith.index_cast %scan3A_440 : i32 to index
        %get3A_469 = arith.constant 64 : index
        %get3A_470 = tpu.vector_load %arg9[%get3A_468, %get3A_469] {strides = array<i32>} : memref<104x128xf32, #tpu.memory_space<vmem>>, vector<1x16xf32>,
        %get3A_471 = vector.shape_cast %get3A_470 : vector<1x16xf32> to vector<16xf32>
        %add3A_472 = arith.addf %scan3A_445, %get3A_471 : vector<16xf32>
        %get3A_473 = arith.index_cast %scan3A_440 : i32 to index
        %get3A_474 = arith.constant 80 : index
        %get3A_475 = tpu.vector_load %arg9[%get3A_473, %get3A_474] {strides = array<i32>} : memref<104x128xf32, #tpu.memory_space<vmem>>, vector<1x16xf32>,
        %get3A_476 = vector.shape_cast %get3A_475 : vector<1x16xf32> to vector<16xf32>
        %add3A_477 = arith.addf %scan3A_446, %get3A_476 : vector<16xf32>
        %get3A_478 = arith.index_cast %scan3A_440 : i32 to index
        %get3A_479 = arith.constant 96 : index
        %get3A_480 = tpu.vector_load %arg9[%get3A_478, %get3A_479] {strides = array<i32>} : memref<104x128xf32, #tpu.memory_space<vmem>>, vector<1x16xf32>,
        %get3A_481 = vector.shape_cast %get3A_480 : vector<1x16xf32> to vector<16xf32>
        %add3A_482 = arith.addf %scan3A_447, %get3A_481 : vector<16xf32>
        %get3A_483 = arith.index_cast %scan3A_440 : i32 to index
        %get3A_484 = arith.constant 112 : index
        %get3A_485 = tpu.vector_load %arg9[%get3A_483, %get3A_484] {strides = array<i32>} : memref<104x128xf32, #tpu.memory_space<vmem>>, vector<1x16xf32>,
        %get3A_486 = vector.shape_cast %get3A_485 : vector<1x16xf32> to vector<16xf32>
        %add3A_487 = arith.addf %scan3A_448, %get3A_486 : vector<16xf32>
        scf.yield %add3A_452, %add3A_457, %add3A_462, %add3A_467, %add3A_472, %add3A_477, %add3A_482, %add3A_487 : vector<16xf32>, vector<16xf32>, vector<16xf32>, vector<16xf32>, vector<16xf32>, vector<16xf32>, vector<16xf32>, vector<16xf32>
      }
      %scan3A_383 = arith.constant 104 : i32
      %add3A_384 = arith.constant 2 : i32
      %add3A_385 = arith.addi %add3A_338, %add3A_384 : i32
      %lt3A_386 = arith.constant 256 : i32
      %lt3A_387 = arith.cmpi slt, %add3A_385, %lt3A_386 : i32
      %convert_element_type3A_388 = arith.extui %lt3A_387 : i1 to i32
      %cond3A_389 = arith.constant 0 : i32
      %cond3A_390 = arith.cmpi ne, %convert_element_type3A_388, %cond3A_389 : i32
      scf.if %cond3A_390 {
        %add3A_440 = arith.constant 2 : i32
        %add3A_441 = arith.addi %add3A_338, %add3A_440 : i32
        %mul3A_442 = arith.constant 208 : i32
        %mul3A_443 = arith.muli %add3A_441, %mul3A_442 : i32
        %add3A_444 = arith.constant 104 : i32
        %add3A_445 = arith.addi %mul3A_443, %add3A_444 : i32
        %multiple_of3A_446 = tpu.assume_multiple %add3A_445, 8 : i32
        %dma_start3A_447 = tpu.memref_slice %arg5[%multiple_of3A_446] : memref<53248xi32, #tpu.memory_space<vmem>> -> memref<104xi32, #tpu.memory_space<vmem>>
        %dma_start3A_448 = arith.constant 0 : i32
        %dma_start3A_449 = arith.constant 0 : i32
        %dma_start3A_450 = tpu.memref_slice %arg2[%dma_start3A_448, %dma_start3A_449] : memref<100000x128xf32, #tpu.memory_space<hbm>> -> memref<100000x128xf32, #tpu.memory_space<hbm>>
        tpu.enqueue_indirect_dma source(%dma_start3A_450 : memref<100000x128xf32, #tpu.memory_space<hbm>>) target(%arg9 : memref<104x128xf32, #tpu.memory_space<vmem>>) offsets(%dma_start3A_447 : memref<104xi32, #tpu.memory_space<vmem>>) semaphore(%arg14 : memref<!tpu.dma_semaphore, #tpu.memory_space<semaphore_mem>>)
      } else {
      }
      %swap3A_391 = arith.constant 3 : i32
      %swap3A_392 = arith.index_cast %swap3A_391 : i32 to index
      %swap3A_393 = arith.constant 0 : index
      %swap3A_394 = tpu.vector_load %arg10[%swap3A_392, %swap3A_393] {strides = array<i32>} : memref<4x128xf32, #tpu.memory_space<vmem>>, vector<1x16xf32>,
      %swap3A_395 = vector.shape_cast %swap3A_394 : vector<1x16xf32> to vector<16xf32>
      %swap3A_396 = vector.shape_cast %scan3A_382#0 : vector<16xf32> to vector<1x16xf32>
      tpu.vector_store %arg10[%swap3A_392, %swap3A_393], %swap3A_396 {strides = array<i32>} : memref<4x128xf32, #tpu.memory_space<vmem>>, vector<1x16xf32>,
      %swap3A_397 = arith.constant 3 : i32
      %swap3A_398 = arith.index_cast %swap3A_397 : i32 to index
      %swap3A_399 = arith.constant 16 : index
      %swap3A_400 = tpu.vector_load %arg10[%swap3A_398, %swap3A_399] {strides = array<i32>} : memref<4x128xf32, #tpu.memory_space<vmem>>, vector<1x16xf32>,
      %swap3A_401 = vector.shape_cast %swap3A_400 : vector<1x16xf32> to vector<16xf32>
      %swap3A_402 = vector.shape_cast %scan3A_382#1 : vector<16xf32> to vector<1x16xf32>
      tpu.vector_store %arg10[%swap3A_398, %swap3A_399], %swap3A_402 {strides = array<i32>} : memref<4x128xf32, #tpu.memory_space<vmem>>, vector<1x16xf32>,
      %swap3A_403 = arith.constant 3 : i32
      %swap3A_404 = arith.index_cast %swap3A_403 : i32 to index
      %swap3A_405 = arith.constant 32 : index
      %swap3A_406 = tpu.vector_load %arg10[%swap3A_404, %swap3A_405] {strides = array<i32>} : memref<4x128xf32, #tpu.memory_space<vmem>>, vector<1x16xf32>,
      %swap3A_407 = vector.shape_cast %swap3A_406 : vector<1x16xf32> to vector<16xf32>
      %swap3A_408 = vector.shape_cast %scan3A_382#2 : vector<16xf32> to vector<1x16xf32>
      tpu.vector_store %arg10[%swap3A_404, %swap3A_405], %swap3A_408 {strides = array<i32>} : memref<4x128xf32, #tpu.memory_space<vmem>>, vector<1x16xf32>,
      %swap3A_409 = arith.constant 3 : i32
      %swap3A_410 = arith.index_cast %swap3A_409 : i32 to index
      %swap3A_411 = arith.constant 48 : index
      %swap3A_412 = tpu.vector_load %arg10[%swap3A_410, %swap3A_411] {strides = array<i32>} : memref<4x128xf32, #tpu.memory_space<vmem>>, vector<1x16xf32>,
      %swap3A_413 = vector.shape_cast %swap3A_412 : vector<1x16xf32> to vector<16xf32>
      %swap3A_414 = vector.shape_cast %scan3A_382#3 : vector<16xf32> to vector<1x16xf32>
      tpu.vector_store %arg10[%swap3A_410, %swap3A_411], %swap3A_414 {strides = array<i32>} : memref<4x128xf32, #tpu.memory_space<vmem>>, vector<1x16xf32>,
      %swap3A_415 = arith.constant 3 : i32
      %swap3A_416 = arith.index_cast %swap3A_415 : i32 to index
      %swap3A_417 = arith.constant 64 : index
      %swap3A_418 = tpu.vector_load %arg10[%swap3A_416, %swap3A_417] {strides = array<i32>} : memref<4x128xf32, #tpu.memory_space<vmem>>, vector<1x16xf32>,
      %swap3A_419 = vector.shape_cast %swap3A_418 : vector<1x16xf32> to vector<16xf32>
      %swap3A_420 = vector.shape_cast %scan3A_382#4 : vector<16xf32> to vector<1x16xf32>
      tpu.vector_store %arg10[%swap3A_416, %swap3A_417], %swap3A_420 {strides = array<i32>} : memref<4x128xf32, #tpu.memory_space<vmem>>, vector<1x16xf32>,
      %swap3A_421 = arith.constant 3 : i32
      %swap3A_422 = arith.index_cast %swap3A_421 : i32 to index
      %swap3A_423 = arith.constant 80 : index
      %swap3A_424 = tpu.vector_load %arg10[%swap3A_422, %swap3A_423] {strides = array<i32>} : memref<4x128xf32, #tpu.memory_space<vmem>>, vector<1x16xf32>,
      %swap3A_425 = vector.shape_cast %swap3A_424 : vector<1x16xf32> to vector<16xf32>
      %swap3A_426 = vector.shape_cast %scan3A_382#5 : vector<16xf32> to vector<1x16xf32>
      tpu.vector_store %arg10[%swap3A_422, %swap3A_423], %swap3A_426 {strides = array<i32>} : memref<4x128xf32, #tpu.memory_space<vmem>>, vector<1x16xf32>,
      %swap3A_427 = arith.constant 3 : i32
      %swap3A_428 = arith.index_cast %swap3A_427 : i32 to index
      %swap3A_429 = arith.constant 96 : index
      %swap3A_430 = tpu.vector_load %arg10[%swap3A_428, %swap3A_429] {strides = array<i32>} : memref<4x128xf32, #tpu.memory_space<vmem>>, vector<1x16xf32>,
      %swap3A_431 = vector.shape_cast %swap3A_430 : vector<1x16xf32> to vector<16xf32>
      %swap3A_432 = vector.shape_cast %scan3A_382#6 : vector<16xf32> to vector<1x16xf32>
      tpu.vector_store %arg10[%swap3A_428, %swap3A_429], %swap3A_432 {strides = array<i32>} : memref<4x128xf32, #tpu.memory_space<vmem>>, vector<1x16xf32>,
      %swap3A_433 = arith.constant 3 : i32
      %swap3A_434 = arith.index_cast %swap3A_433 : i32 to index
      %swap3A_435 = arith.constant 112 : index
      %swap3A_436 = tpu.vector_load %arg10[%swap3A_434, %swap3A_435] {strides = array<i32>} : memref<4x128xf32, #tpu.memory_space<vmem>>, vector<1x16xf32>,
      %swap3A_437 = vector.shape_cast %swap3A_436 : vector<1x16xf32> to vector<16xf32>
      %swap3A_438 = vector.shape_cast %scan3A_382#7 : vector<16xf32> to vector<1x16xf32>
      tpu.vector_store %arg10[%swap3A_434, %swap3A_435], %swap3A_438 {strides = array<i32>} : memref<4x128xf32, #tpu.memory_space<vmem>>, vector<1x16xf32>,
      %add3A_439 = arith.addi %mul3A_2, %add3A_36 : i32
      "tpu.region"() ({
        %run_scoped3A = tpu.sem_alloc : memref<!tpu.dma_semaphore, #tpu.memory_space<semaphore_mem>>
        %dma_start3A_440 = arith.constant 0 : i32
        %dma_start3A_441 = tpu.memref_slice %arg4[%add3A_439, %dma_start3A_440] : memref<8192x128xf32, #tpu.memory_space<hbm>> -> memref<4x128xf32, #tpu.memory_space<hbm>>
        %dma_start3A_442 = arith.constant 0 : i32
        %dma_start3A_443 = tpu.memref_slice %arg4[%add3A_439, %dma_start3A_442] : memref<8192x128xf32, #tpu.memory_space<hbm>> -> memref<4x128xf32, #tpu.memory_space<hbm>>
        tpu.enqueue_dma source(%arg10 : memref<4x128xf32, #tpu.memory_space<vmem>>) target(%dma_start3A_443 : memref<4x128xf32, #tpu.memory_space<hbm>>) target_semaphore(%run_scoped3A : memref<!tpu.dma_semaphore, #tpu.memory_space<semaphore_mem>>)
        %dma_wait3A_444 = arith.constant 0 : i32
        %dma_wait3A_445 = tpu.memref_slice %arg4[%add3A_439, %dma_wait3A_444] : memref<8192x128xf32, #tpu.memory_space<hbm>> -> memref<4x128xf32, #tpu.memory_space<hbm>>
        %dma_wait3A_446 = arith.constant 0 : i32
        %dma_wait3A_447 = tpu.memref_slice %arg4[%add3A_439, %dma_wait3A_446] : memref<8192x128xf32, #tpu.memory_space<hbm>> -> memref<4x128xf32, #tpu.memory_space<hbm>>
        tpu.wait_dma2 semaphore(%run_scoped3A : memref<!tpu.dma_semaphore, #tpu.memory_space<semaphore_mem>>) src(%arg10 : memref<4x128xf32, #tpu.memory_space<vmem>>) dst(%dma_wait3A_447 : memref<4x128xf32, #tpu.memory_space<hbm>>)
        tpu.yield
      }) : () -> ()
    }
    %scan3A_31 = arith.constant 64 : i32
    return
  }
}

module attributes {stable_mosaic.version = 14 : i64} {
  func.func @body(%arg0: i32, %arg1: memref<256x128xf32, #tpu.memory_space<vmem>>, %arg2: memref<256x200xi32, #tpu.memory_space<vmem>>, %arg3: memref<1x128xf32, #tpu.memory_space<vmem>>, %arg4: memref<1x128xf32, #tpu.memory_space<vmem>>, %arg5: memref<256x128xf32, #tpu.memory_space<vmem>>) attributes {dimension_semantics = [#tpu.dimension_semantics<arbitrary>], iteration_bounds = array<i64: 32>, scalar_prefetch = 0 : i64, scratch_operands = 0 : i64, tpu.core_type = #tpu.core_type<tc>, window_params = [{transform_indices = @transform_0, window_bounds = array<i64: 256, 128>}, {transform_indices = @transform_1, window_bounds = array<i64: 256, 200>}, {pipeline_mode = #tpu.pipeline_mode<synchronous>, transform_indices = @transform_2, window_bounds = array<i64: 1, 128>}, {pipeline_mode = #tpu.pipeline_mode<synchronous>, transform_indices = @transform_3, window_bounds = array<i64: 1, 128>}, {transform_indices = @transform_4, window_bounds = array<i64: 256, 128>}]} {
    %get3A = arith.constant 0 : index
    %get3A_0 = arith.constant 0 : index
    %get3A_1 = vector.load %arg1[%get3A, %get3A_0] : memref<256x128xf32, #tpu.memory_space<vmem>>, vector<256x128xf32>
    %get3A_2 = arith.constant 0 : index
    %get3A_3 = arith.constant 0 : index
    %get3A_4 = vector.load %arg2[%get3A_2, %get3A_3] : memref<256x200xi32, #tpu.memory_space<vmem>>, vector<256x200xi32>
    %ne3A = arith.constant 0 : i32
    %ne3A_5 = vector.broadcast %ne3A : i32 to vector<256x200xi32>
    %ne3A_6 = arith.cmpi ne, %get3A_4, %ne3A_5 : vector<256x200xi32>
    %convert_element_type3A = arith.extui %ne3A_6 : vector<256x200xi1> to vector<256x200xi32>
    %convert_element_type3A_7 = arith.sitofp %convert_element_type3A : vector<256x200xi32> to vector<256x200xf32>
    %reduce_sum3A = arith.constant dense<0.000000e+00> : vector<256xf32>
    %reduce_sum3A_8 = vector.multi_reduction <add>, %convert_element_type3A_7, %reduce_sum3A [1] : vector<256x200xf32> to vector<256xf32>
    %broadcast_in_dim3A = vector.shape_cast %reduce_sum3A_8 : vector<256xf32> to vector<256x1xf32>
    %div3A = vector.broadcast %broadcast_in_dim3A : vector<256x1xf32> to vector<256x128xf32>
    %div3A_9 = arith.divf %get3A_1, %div3A : vector<256x128xf32>
    %reduce_sum3A_10 = arith.constant dense<0.000000e+00> : vector<256xf32>
    %reduce_sum3A_11 = vector.multi_reduction <add>, %div3A_9, %reduce_sum3A_10 [1] : vector<256x128xf32> to vector<256xf32>
    %broadcast_in_dim3A_12 = vector.shape_cast %reduce_sum3A_11 : vector<256xf32> to vector<256x1xf32>
    %div3A_13 = arith.constant 1.280000e+02 : f32
    %div3A_14 = vector.broadcast %div3A_13 : f32 to vector<256x1xf32>
    %div3A_15 = arith.divf %broadcast_in_dim3A_12, %div3A_14 : vector<256x1xf32>
    %sub3A = vector.broadcast %div3A_15 : vector<256x1xf32> to vector<256x128xf32>
    %sub3A_16 = arith.subf %div3A_9, %sub3A : vector<256x128xf32>
    %integer_pow3A = arith.mulf %sub3A_16, %sub3A_16 : vector<256x128xf32>
    %reduce_sum3A_17 = arith.constant dense<0.000000e+00> : vector<256xf32>
    %reduce_sum3A_18 = vector.multi_reduction <add>, %integer_pow3A, %reduce_sum3A_17 [1] : vector<256x128xf32> to vector<256xf32>
    %broadcast_in_dim3A_19 = vector.shape_cast %reduce_sum3A_18 : vector<256xf32> to vector<256x1xf32>
    %div3A_20 = arith.constant 1.280000e+02 : f32
    %div3A_21 = vector.broadcast %div3A_20 : f32 to vector<256x1xf32>
    %div3A_22 = arith.divf %broadcast_in_dim3A_19, %div3A_21 : vector<256x1xf32>
    %sub3A_23 = vector.broadcast %div3A_15 : vector<256x1xf32> to vector<256x128xf32>
    %sub3A_24 = arith.subf %div3A_9, %sub3A_23 : vector<256x128xf32>
    %add3A = arith.constant 9.99999996E-13 : f32
    %add3A_25 = vector.broadcast %add3A : f32 to vector<256x1xf32>
    %add3A_26 = arith.addf %div3A_22, %add3A_25 : vector<256x1xf32>
    %rsqrt3A = math.rsqrt %add3A_26 : vector<256x1xf32>
    %mul3A = vector.broadcast %rsqrt3A : vector<256x1xf32> to vector<256x128xf32>
    %mul3A_27 = arith.mulf %sub3A_24, %mul3A : vector<256x128xf32>
    %get3A_28 = arith.constant 0 : index
    %get3A_29 = arith.constant 0 : index
    %get3A_30 = vector.load %arg3[%get3A_28, %get3A_29] : memref<1x128xf32, #tpu.memory_space<vmem>>, vector<1x128xf32>
    %mul3A_31 = vector.broadcast %get3A_30 : vector<1x128xf32> to vector<256x128xf32>
    %mul3A_32 = arith.mulf %mul3A_27, %mul3A_31 : vector<256x128xf32>
    %get3A_33 = arith.constant 0 : index
    %get3A_34 = arith.constant 0 : index
    %get3A_35 = vector.load %arg4[%get3A_33, %get3A_34] : memref<1x128xf32, #tpu.memory_space<vmem>>, vector<1x128xf32>
    %add3A_36 = vector.broadcast %get3A_35 : vector<1x128xf32> to vector<256x128xf32>
    %add3A_37 = arith.addf %mul3A_32, %add3A_36 : vector<256x128xf32>
    %swap3A = arith.constant 0 : index
    %swap3A_38 = arith.constant 0 : index
    %swap3A_39 = vector.load %arg5[%swap3A, %swap3A_38] : memref<256x128xf32, #tpu.memory_space<vmem>>, vector<256x128xf32>
    tpu.vector_store %arg5[%swap3A, %swap3A_38], %add3A_37 {strides = array<i32>} : memref<256x128xf32, #tpu.memory_space<vmem>>, vector<256x128xf32>,
    return
  }
  func.func @transform_0(%arg0: i32) -> (i32, i32) {
    %c0_i32 = arith.constant 0 : i32
    %c0_i32_0 = arith.constant 0 : i32
    return %arg0, %c0_i32 : i32, i32
  }
  func.func @transform_1(%arg0: i32) -> (i32, i32) {
    %c0_i32 = arith.constant 0 : i32
    %c0_i32_0 = arith.constant 0 : i32
    return %arg0, %c0_i32 : i32, i32
  }
  func.func @transform_2(%arg0: i32) -> (i32, i32) {
    %c0_i32 = arith.constant 0 : i32
    %c0_i32_0 = arith.constant 0 : i32
    %c0_i32_1 = arith.constant 0 : i32
    return %c0_i32, %c0_i32_0 : i32, i32
  }
  func.func @transform_3(%arg0: i32) -> (i32, i32) {
    %c0_i32 = arith.constant 0 : i32
    %c0_i32_0 = arith.constant 0 : i32
    %c0_i32_1 = arith.constant 0 : i32
    return %c0_i32, %c0_i32_0 : i32, i32
  }
  func.func @transform_4(%arg0: i32) -> (i32, i32) {
    %c0_i32 = arith.constant 0 : i32
    %c0_i32_0 = arith.constant 0 : i32
    return %arg0, %c0_i32 : i32, i32
  }
}

</mosaic_0001>

<sc_bundles>
// kernel: kernel.4.cloned.1.call-start
scs
__scs_entry_jumppad:
0x0: {  	(pc) =	sbr.rel $0x88, $3  }
0x1: {  	(tag) =	ssettag $0x0;
	lr =	simm.s32 $0x1  }
0x2: {  	[smem:$0x3F9C] =	sst lr;
	_ =	strace $0xD0000000  }
0x3: {  	_ = 	snop  }
0x4: {  	_ = 	snop  }
0x5: {  	_ = 	snop  }
0x6: {  	_ = 	snop  }
0x7: {  	_ = 	snop  }
__scs_overlays_trampoline_lowered:
0x8: {  	[smem:$0x3FAB] =	sst s0  }
0x9: {  	[smem:$0x3FAC] =	sst s1  }
0xa: {  	[smem:$0x3FAD] =	sst s2  }
0xb: {  	[smem:$0x3FAE] =	sst s3  }
0xc: {  	[smem:$0x3FAF] =	sst s4  }
0xd: {  	[smem:$0x3FB0] =	sst s5  }
0xe: {  	[smem:$0x3FB1] =	sst s6  }
0xf: {  	[smem:$0x3FB2] =	sst s7  }
0x10: {  	[smem:$0x3FB3] =	sst s8  }
0x11: {  	[smem:$0x3FB4] =	sst s9;
	s0 =	simm.s32 @!p0 $0x0  }
0x12: {  	s1 =	sld [smem:$0x3F9A];
	s0 =	simm.s32 @p0 $0x1  }
0x13: {  	[smem:$0x3FB5] =	sst s0;
	s0 =	simm.s32 @!p1 $0x0  }
0x14: {  	s2 =	sld [smem:$0x3F99];
	s0 =	simm.s32 @p1 $0x1  }
0x15: {  	[smem:$0x3FB6] =	sst s0;
	s0 =	simm.s32 @!p2 $0x0  }
0x16: {  	s3 =	sld [smem:$0x3FDB];
	s0 =	simm.s32 @p2 $0x1  }
0x17: {  	s4 =	simm.s32 $0x1BF5;
	[smem:$0x3FB8] =	sst s0  }
0x18: {  	s0 =	sld [smem:$0x3F9B];
	_ =	swait.ge [sflag:s4], $0x0  }
0x19: {  	s7 =	sld [smem:$0x3F9C]  }
0x1a: {  	s8 =	sadd.s32 $0xFFFFE003, lr  }
0x1b: {  	s9 =	sadd.s32 $0xFFFFFEF7, lr;
	s5 =	simm.s32 $0xFFFFFFFF;
	p2 =	slt.u32 s8, $0xFFFFF086  }
0x1c: {  	p1 =	slt.u32 s9, $0xF7A;
	s5 =	simm.s32 @!p2 $0x0  }
0x1d: {  	s5 =	simm.s32 @p1 $0x1;
	p0 =	seq.s32 s7, s2  }
0x1e: {  	s7 =	smul.u32 @!p0 $0xF7A, s2;
	p2 =	seq.s32 @!p0 s5, $0x0  }
0x1f: {  	s9 =	smul.u32 $0xF7A, s1;
	s8 =	simm.s32 @!p0 $0x1BF5;
	p2 =	por !p2, p0  }
0x20: {  	[sflag:s8] =	ssyncset.s32 @!p0 $0xFFFFF086;
	s6 =	sadd.s32 @!p0 s3, s7;
	s7 =	simm.s32 @!p0 $0x108  }
0x21: {  	s3 =	sadd.s32 s3, s9;
	s6 =	sadd.s32 @!p0 $0x88, s6;
	s7 =	simm.s32 @p2 $0x1082  }
0x22: {  	[simem:s7], [sflag:s8] =	dma.local @!p0 [hbm:s6], $0xF7A  }
0x23: {  	s9 =	sor.u32 $0xD0000000, s2;
	s6 =	simm.s32 $0x108;
	_ =	swait.ge @!p0 [sflag:s8], $0x0  }
0x24: {  	s3 =	sadd.s32 $0x88, s3;
	s6 =	simm.s32 @!p1 $0x1082;
	[sflag:s4] =	ssyncset.s32 $0xFFFFF086  }
0x25: {  	[simem:s6], [sflag:s4] =	dma.local [hbm:s3], $0xF7A  }
0x26: {  	[smem:$0x3F9C] =	sst s1;
	(tag) =	ssettag s2;
	_ =	strace s9  }
0x27: {  	s1 =	sld [smem:$0x3FAC]  }
0x28: {  	s2 =	sld [smem:$0x3FAD]  }
0x29: {  	s4 =	sld [smem:$0x3FAF]  }
0x2a: {  	p0 =	seq.s32 s5, $0x0;
	s5 =	sld [smem:$0x3FB0]  }
0x2b: {  	s6 =	sld [smem:$0x3FB1]  }
0x2c: {  	s7 =	sld [smem:$0x3FB2]  }
0x2d: {  	s3 =	simm.s32 $0x108;
	s8 =	sld [smem:$0x3FB3]  }
0x2e: {  	s3 =	simm.s32 @!p0 $0x1082;
	s9 =	sld [smem:$0x3FB4]  }
0x2f: {  	lr =	sadd.s32 s0, s3;
	s0 =	sld [smem:$0x3FAB]  }
0x30: {  	s3 =	sld [smem:$0x3FAE]  }
0x31: {  	[smem:$0x3FB7] =	sst s10  }
0x32: {  	s10 =	sld [smem:$0x3FB5];
	_ =	sdelay $0x3  }
0x33: {  	p0 =	seq.s32 s10, $0x1;
	s10 =	sld [smem:$0x3FB7];
	_ =	sdelay $0x3  }
0x34: {  	[smem:$0x3FB7] =	sst s10  }
0x35: {  	s10 =	sld [smem:$0x3FB6];
	_ =	sdelay $0x3  }
0x36: {  	p1 =	seq.s32 s10, $0x1;
	s10 =	sld [smem:$0x3FB7];
	_ =	sdelay $0x3  }
0x37: {  	[smem:$0x3FB7] =	sst s10  }
0x38: {  	s10 =	sld [smem:$0x3FB8]  }
0x39: {  	_ = 	snop;
	(pc) =	sbr.ind lr, $3  }
0x3a: {  	_ = 	snop  }
0x3b: {  	_ = 	snop  }
0x3c: {  	p2 =	seq.s32 s10, $0x1;
	s10 =	sld [smem:$0x3FB7]  }
0x3d: {  	_ =	shalt  }
0x3e: {  	_ =	shalt  }
0x3f: {  	_ =	shalt  }
0x40: {  	_ =	shalt  }
0x41: {  	_ =	shalt  }
0x42: {  	_ =	shalt  }
0x43: {  	_ =	shalt  }
0x44: {  	_ =	shalt  }
0x45: {  	_ =	shalt  }
0x46: {  	_ =	shalt  }
0x47: {  	_ =	shalt  }
0x48: {  	_ =	shalt  }
0x49: {  	_ =	shalt  }
0x4a: {  	_ =	shalt  }
0x4b: {  	_ =	shalt  }
0x4c: {  	_ =	shalt  }
0x4d: {  	_ =	shalt  }
0x4e: {  	_ =	shalt  }
0x4f: {  	_ =	shalt  }
0x50: {  	_ =	shalt  }
0x51: {  	_ =	shalt  }
0x52: {  	_ =	shalt  }
0x53: {  	_ =	shalt  }
0x54: {  	_ =	shalt  }
0x55: {  	_ =	shalt  }
0x56: {  	_ =	shalt  }
0x57: {  	_ =	shalt  }
0x58: {  	_ =	shalt  }
0x59: {  	_ =	shalt  }
0x5a: {  	_ =	shalt  }
0x5b: {  	_ =	shalt  }
0x5c: {  	_ =	shalt  }
0x5d: {  	_ =	shalt  }
0x5e: {  	_ =	shalt  }
0x5f: {  	_ =	shalt  }
0x60: {  	_ =	shalt  }
0x61: {  	_ =	shalt  }
0x62: {  	_ =	shalt  }
0x63: {  	_ =	shalt  }
0x64: {  	_ =	shalt  }
0x65: {  	_ =	shalt  }
0x66: {  	_ =	shalt  }
0x67: {  	_ =	shalt  }
0x68: {  	_ =	shalt  }
0x69: {  	_ =	shalt  }
0x6a: {  	_ =	shalt  }
0x6b: {  	_ =	shalt  }
0x6c: {  	_ =	shalt  }
0x6d: {  	_ =	shalt  }
0x6e: {  	_ =	shalt  }
0x6f: {  	_ =	shalt  }
0x70: {  	_ =	shalt  }
0x71: {  	_ =	shalt  }
0x72: {  	_ =	shalt  }
0x73: {  	_ =	shalt  }
0x74: {  	_ =	shalt  }
0x75: {  	_ =	shalt  }
0x76: {  	_ =	shalt  }
0x77: {  	_ =	shalt  }
0x78: {  	_ =	shalt  }
0x79: {  	_ =	shalt  }
0x7a: {  	_ =	shalt  }
0x7b: {  	_ =	shalt  }
0x7c: {  	_ =	shalt  }
0x7d: {  	_ =	shalt  }
0x7e: {  	_ =	shalt  }
0x7f: {  	_ =	shalt  }
0x80: {  	_ =	shalt  }
0x81: {  	_ =	shalt  }
0x82: {  	_ =	shalt  }
0x83: {  	_ =	shalt  }
0x84: {  	_ =	shalt  }
0x85: {  	_ =	shalt  }
0x86: {  	_ =	shalt  }
0x87: {  	_ =	shalt  }
.Lfunc_end0:
.L_simem_size_0:
called_computation_lowered:
.L_overlay_start_0:
0x88: {  	s2 =	sld [smem:$0x3FD9]  }
0x89: {  	s3 =	sld [smem:$0x3FFE];
	_ =	sdelay $0x1  }
0x8a: {  	s1 =	srdreg.scid  }
0x8b: {  	s0 =	sand.u32 $0x1, s1  }
0x8c: {  	s17 =	sshll.u32 s0, $0xA;
	s2 =	sadd.s32 s3, s2  }
0x8d: {  	s2 =	sadd.s32 s2, s17  }
0x8e: {  	[smem:$0x3FC3] =	sst s2  }
0x8f: {  	_ = 	snop  }
0x90: {  	s2 =	sld [smem:$0x3FC7];
	(tm) =	ssettm $0x1  }
0x91: {  	s18 =	sld [smem:$0x3FFB];
	_ =	sdelay $0x3  }
0x92: {  	_ =	strace s18  }
0x93: {  	s3 =	sld [smem:$0x3FFC];
	_ =	sdelay $0x3  }
0x94: {  	_ =	strace s3  }
0x95: {  	s3 =	sld [smem:$0x3FFD];
	_ =	sdelay $0x3  }
0x96: {  	_ =	strace s3  }
0x97: {  	_ =	strace $0x8FFFFFFF  }
0x98: {  	s19 =	sld [smem:$0x3FDB];
	_ =	sdelay $0x1  }
0x99: {  	s4 =	simm.s32 $_scs_section_size  }
0x9a: {  	s5 =	simm.s32 $_size__tile_overlayer_lowered;
	s6 =	simm.s32 $_tile_overlayer_lowered  }
0x9b: {  	s22 =	simm.s32 $0x1BFF;
	s21 =	sshll.u32 s6, $0x1;
	s3 =	sadd.s32 s4, s19  }
0x9c: {  	s7 =	simm.s32 $0x0;
	s20 =	sshll.u32 s5, $0x1;
	s5 =	sadd.s32 s21, s3  }
0x9d: {  	[timem:s7], [sflag:s22] =	dma.local [hbm:s5], s20  }
0x9e: {  	_ =	swait.ge [sflag:s22], s20  }
0x9f: {  	s4 =	ssub.s32 $0x0, s20;
	[sflag:s22] =	ssyncset.done $0x0  }
0xa0: {  	[sflag:s22] =	ssyncadd.s32 s4;
	_ =	sdelay $0x1  }
0xa1: {  	s23 =	simm.s32 $0x1B8B  }
0xa2: {  	_ =	swait.ge [sflag:s23], $0x1  }
0xa3: {  	[sflag:s23] =	ssyncset.done $0x0  }
0xa4: {  	s25 =	simm.s32 $0x1B8E;
	s24 =	sld [smem:$0x3FFE];
	[sflag:s23] =	ssyncadd.s32 $0xFFFFFFFF  }
0xa5: {  	s26 =	simm.s32 $execute0_lowered;
	[smem:$0x3FD2] =	sst s25  }
0xa6: {  	s5 =	sshll.u32 s26, $0x1;
	_ =	strace $0x80000046;
	[dreg:$0x1] =	wrdreg $0xFFFFFFFF  }
0xa7: {  	s28 =	simm.s32 $_size_execute0_lowered;
	s3 =	sadd.s32 s3, s5;
	[dreg:$0x0] =	wrdreg $0x0  }
0xa8: {  	s5 =	sshll.u32 s28, $0x1;
	[dreg:$0x2] =	wrdreg s3  }
0xa9: {  	[dreg:$0x3] =	wrdreg s5  }
0xaa: {  	[dreg:$0x4] =	wrdreg $0xC0  }
0xab: {  	_ =	task [dreg:s7], $0x5FFFF  }
0xac: {  	[dreg:$0x1] =	wrdreg $0xFFFFFFFF  }
0xad: {  	[dreg:$0x0] =	wrdreg $0x60  }
0xae: {  	[dreg:$0x2] =	wrdreg s2  }
0xaf: {  	[dreg:$0x3] =	wrdreg s24  }
0xb0: {  	[dreg:$0x4] =	wrdreg $0x9  }
0xb1: {  	_ =	task.clear_ibuf [dreg:s7], $0x5FFFF;
	_ =	strace $0x90000046  }
0xb2: {  	s29 =	simm.s32 $0x9;
	_ =	strace $0x80000048  }
0xb3: {  	_ =	swait.ge [sflag:s29], $0x1  }
0xb4: {  	[sflag:s29] =	ssyncadd.s32 $0xFFFFFFFF  }
0xb5: {  	_ =	strace $0x90000048  }
0xb6: {  	_ =	sfence  }
0xb7: {  	s30 =	sld [smem:$0x0];
	_ =	sdelay $0x2  }
0xb8: {  	s31 =	sshll.u32 s1, $0xD;
	s1 =	sshrl.u32 s1, $0x2  }
0xb9: {  	s3 =	sand.u32 $0x4000, s31;
	s1 =	sadd.s32 s1, s30  }
0xba: {  	s0 =	sor.u32 s3, s0;
	s1 =	sshll.u32 s1, $0x11  }
0xbb: {  	s0 =	sor.u32 s1, s0  }
0xbc: {  	s0 =	sadd.s32 $0x8F2B, s0  }
0xbd: {  	[sflag:s0] =	ssyncadd.remote.s32 $0x1  }
0xbe: {  	_ =	sfence.sel $0xFFFF  }
0xbf: {  	[dreg:$0x0] =	wrdreg $0xFFFFFFFF;
	(pc) =	sbr.abs _section_cstart, $3  }
0xc0: {  	[dreg:$0x1] =	wrdreg $0xFFFFFFFF  }
0xc1: {  	_ =	task.clear_ibuf [dreg:s7], $0x2FFFF;
	_ =	strace $0x9FFFFFFF  }
0xc2: {  	(tm) =	ssettm $0x7FFFFFFF  }
0xc3: {  	_ =	shalt  }
tec
execute0_lowered:
.L_overlay_start_1:
0x0: {  	(tag) =	ssettag $0x1  }
0x1: {  	s2 =	rddreg [dreg:$0x0]  }
0x2: {  	s0 =	srdreg.scid;
	s5 =	rddreg [dreg:$0x1]  }
0x3: {  	s1 =	stileid.u32;
	s3 =	simm.s32 $0x0;
	s8 =	simm.s32 $0x68  }
0x4: {  	s9 =	simm.s32 $0xD000;
	s10 =	simm.s32 $0x10400;
	s11 =	simm.s32 $0xD0  }
0x5: {  	s12 =	simm.s32 $0x13800;
	s13 =	simm.s32 $0x138;
	s14 =	simm.s32 $0x16C00  }
0x6: {  	s15 =	simm.s32 $0x1;
	s16 =	simm.s32 $0x2;
	s4 =	sand.u32 $0x1, s0  }
0x7: {  	s17 =	simm.s32 $0x3;
	s18 =	simm.s32 $0x4;
	s6 =	sshll.u32 s4, $0x4  }
0x8: {  	s19 =	simm.s32 $0x1A000;
	s20 =	simm.s32 $0x0;
	s6 =	sor.u32 s1, s6  }
0x9: {  	s26 =	simm.s32 $0x0;
	[smem:$0x7FF] =	sst s3;
	s7 =	smul.u32 $0x1A00, s6  }
0xa: {  	s0 =	rddreg [dreg:$0x2];
	_ =	strace $0x80000047;
	s4 =	ssub.s32 $0x2, s4  }
0xb: {  	s31 =	sshrl.u32 s4, $0x1;
	s6 =	sshll.u32 s6, $0xC;
	s7 =	sadd.s32 s7, s5  }
0xc: {  	s5 =	sadd.s32 s6, s5;
	s6 =	ssub.s32 s4, s31;
	s4 =	sadd.s32 $0xE00, s7  }
0xd: {  	s5 =	sadd.s32 $0x34E00, s5;
	s6 =	smax.u32 s6, $0x1;
	s7 =	simm.s32 $0x5  }
.LBB2_1:
0xe: {  	[tilespmem:s3], [sflag:$0x5] =	stream.linear.gather [hbm4b:s4+s3], $0xD000, $0x38;
	[tilespmem:$0x1A200] =	vst v63  }
0xf: {  	_ =	swait.ge [sflag:s7], $0xD000  }
0x10: {  	[sflag:s7] =	ssyncset.done $0x0  }
0x11: {  	[sflag:s7] =	ssyncadd.s32 $0xFFFF3000  }
0x12: {  	[tilespmem:s9], [sflag:$0x1] =	stream.indirect.gather [hbm4b:s2+s8], $0x80, s3, s8, $0xb8;
	[tilespmem:$0x1A200] =	vst v63  }
0x13: {  	_ = 	snop  }
0x14: {  	[tilespmem:s10], [sflag:$0x2] =	stream.indirect.gather [hbm4b:s2+s8], $0x80, s8, s8, $0xb8;
	[tilespmem:$0x1A200] =	vst v63  }
0x15: {  	_ = 	snop  }
0x16: {  	[tilespmem:s12], [sflag:$0x3] =	stream.indirect.gather [hbm4b:s2+s8], $0x80, s11, s8, $0xb8;
	[tilespmem:$0x1A200] =	vst v63  }
0x17: {  	s21 =	simm.s32 $0x0  }
0x18: {  	[tilespmem:s14], [sflag:$0x4] =	stream.indirect.gather [hbm4b:s2+s8], $0x80, s13, s8, $0xb8;
	[tilespmem:$0x1A200] =	vst v63  }
.LBB2_2:
0x19: {  	_ =	swait.ge [sflag:s15], $0x3400  }
0x1a: {  	[sflag:s15] =	ssyncset.done $0x0  }
0x1b: {  	s24 =	simm.s32 $0x0;
	[sflag:s15] =	ssyncadd.s32 $0xFFFFCC00  }
0x1c: {  	v0 =	vld [tilespmem:s24+$0xD070]  }
0x1d: {  	v2 =	vld [tilespmem:s24+$0xD000]  }
0x1e: {  	v4 =	vld [tilespmem:s24+$0xD010]  }
0x1f: {  	v5 =	vld [tilespmem:s24+$0xD020]  }
0x20: {  	v8 =	vld [tilespmem:s24+$0xD030]  }
0x21: {  	v3 =	vimm.f32 $0.0e+00;
	v9 =	vimm.f32 $0.0e+00;
	v6 =	vld [tilespmem:s24+$0xD040]  }
0x22: {  	v10 =	vimm.f32 $0.0e+00;
	v7 =	vimm.f32 $0.0e+00;
	v11 =	vld [tilespmem:s24+$0xD050];
	v1 =	vadd.f32 v0, v3  }
0x23: {  	s22 =	simm.s32 $0x80;
	s23 =	simm.s32 $0x400;
	v12 =	vld [tilespmem:s24+$0xD060];
	v0 =	vadd.f32 v2, v3;
	v2 =	vadd.f32 v4, v3;
	v4 =	vimm.f32 $0.0e+00  }
.LBB2_3:
0x24: {  	p0 =	sne.s32 s23, $0xCE00;
	v13 =	vld [tilespmem:s22+$0xD070];
	v3 =	vadd.f32 v5, v3  }
0x25: {  	v14 =	vld [tilespmem:s22+$0xD000];
	v4 =	vadd.f32 v8, v4  }
0x26: {  	v15 =	vld [tilespmem:s22+$0xD010];
	v9 =	vadd.f32 v6, v9  }
.Ltmp0:
0x27: {  	v5 =	vld [tilespmem:s22+$0xD020];
	v10 =	vadd.f32 v11, v10;
	(pc) =	sbr.rel @p0 .LBB2_3-.Ltmp0, $4  }
0x28: {  	v8 =	vld [tilespmem:s22+$0xD030];
	v7 =	vadd.f32 v12, v7  }
0x29: {  	v6 =	vld [tilespmem:s22+$0xD040];
	v1 =	vadd.f32 v13, v1  }
0x2a: {  	v0 =	vadd.f32 v14, v0;
	v11 =	vld [tilespmem:s22+$0xD050]  }
0x2b: {  	v2 =	vadd.f32 v15, v2;
	v12 =	vld [tilespmem:s22+$0xD060];
	s22 =	sshra.s32 s23, $0x2;
	s23 =	sadd.s32 $0x200, s23  }
0x2c: {  	v13 =	vld [tilespmem:s22+$0xD070]  }
0x2d: {  	v14 =	vld [tilespmem:s22+$0xD000]  }
0x2e: {  	v15 =	vld [tilespmem:s22+$0xD010]  }
0x2f: {  	v16 =	vld [tilespmem:s22+$0xD020]  }
0x30: {  	v17 =	vld [tilespmem:s22+$0xD030]  }
0x31: {  	v18 =	vld [tilespmem:s22+$0xD040]  }
0x32: {  	v19 =	vld [tilespmem:s22+$0xD050];
	s31 =	smul.u32 $0xD00, s21  }
0x33: {  	v20 =	vld [tilespmem:s22+$0xD060];
	_ =	swait.ge [sflag:s16], $0x3400  }
0x34: {  	[sflag:s16] =	ssyncset.done $0x0;
	s22 =	sshra.s32 s31, $0x2  }
0x35: {  	s25 =	simm.s32 $0x0;
	[sflag:s16] =	ssyncadd.s32 $0xFFFFCC00;
	s23 =	sadd.s32 $0x1A0, s22  }
0x36: {  	[tilespmem:s9], [sflag:$0x1] =	stream.indirect.gather [hbm4b:s2+s8], $0x80, s23, s8, $0xb8;
	[tilespmem:$0x1A200] =	vst v63  }
0x37: {  	v3 =	vadd.f32 v5, v3;
	v4 =	vadd.f32 v8, v4;
	v21 =	vld [tilespmem:s25+$0x10470]  }
0x38: {  	v9 =	vadd.f32 v6, v9;
	v10 =	vadd.f32 v11, v10;
	v11 =	vld [tilespmem:s25+$0x10400]  }
0x39: {  	v12 =	vadd.f32 v12, v7;
	v13 =	vadd.f32 v13, v1;
	v22 =	vld [tilespmem:s25+$0x10410]  }
0x3a: {  	v14 =	vadd.f32 v14, v0;
	v15 =	vadd.f32 v15, v2;
	v8 =	vld [tilespmem:s25+$0x10420]  }
0x3b: {  	v5 =	vadd.f32 v16, v3;
	v4 =	vadd.f32 v17, v4;
	v6 =	vld [tilespmem:s25+$0x10430]  }
0x3c: {  	v3 =	vadd.f32 v18, v9;
	v2 =	vadd.f32 v19, v10;
	v7 =	vld [tilespmem:s25+$0x10440]  }
0x3d: {  	v9 =	vld [tilespmem:s25+$0x10450];
	v1 =	vadd.f32 v20, v12;
	v0 =	vadd.f32 v21, v13  }
0x3e: {  	s24 =	simm.s32 $0x400;
	s23 =	simm.s32 $0x80;
	v12 =	vld [tilespmem:s25+$0x10460];
	v11 =	vadd.f32 v11, v14;
	v10 =	vadd.f32 v22, v15  }
.LBB2_5:
0x3f: {  	p0 =	sne.s32 s24, $0xCE00;
	v13 =	vld [tilespmem:s23+$0x10470];
	v5 =	vadd.f32 v8, v5  }
0x40: {  	v14 =	vld [tilespmem:s23+$0x10400];
	v4 =	vadd.f32 v6, v4  }
0x41: {  	v15 =	vld [tilespmem:s23+$0x10410];
	v3 =	vadd.f32 v7, v3  }
.Ltmp1:
0x42: {  	v8 =	vld [tilespmem:s23+$0x10420];
	v2 =	vadd.f32 v9, v2;
	(pc) =	sbr.rel @p0 .LBB2_5-.Ltmp1, $4  }
0x43: {  	v6 =	vld [tilespmem:s23+$0x10430];
	v1 =	vadd.f32 v12, v1  }
0x44: {  	v7 =	vld [tilespmem:s23+$0x10440];
	v0 =	vadd.f32 v13, v0  }
0x45: {  	v11 =	vadd.f32 v14, v11;
	v9 =	vld [tilespmem:s23+$0x10450]  }
0x46: {  	v10 =	vadd.f32 v15, v10;
	v12 =	vld [tilespmem:s23+$0x10460];
	s23 =	sshra.s32 s24, $0x2;
	s24 =	sadd.s32 $0x200, s24  }
0x47: {  	v13 =	vld [tilespmem:s23+$0x10470]  }
0x48: {  	v14 =	vld [tilespmem:s23+$0x10400]  }
0x49: {  	v15 =	vld [tilespmem:s23+$0x10410]  }
0x4a: {  	v16 =	vld [tilespmem:s23+$0x10420]  }
0x4b: {  	v17 =	vld [tilespmem:s23+$0x10430]  }
0x4c: {  	v18 =	vld [tilespmem:s23+$0x10440]  }
0x4d: {  	v19 =	vld [tilespmem:s23+$0x10450];
	v5 =	vadd.f32 v8, v5;
	s31 =	sadd.s32 $0x208, s22;
	v8 =	vadd.f32 v14, v11  }
0x4e: {  	v4 =	vadd.f32 v6, v4;
	v11 =	vld [tilespmem:s23+$0x10460];
	v6 =	vadd.f32 v15, v10;
	[tilespmem:s10], [sflag:$0x2] =	stream.indirect.gather [hbm4b:s2+s8], $0x80, s31, s8, $0xb8  }
0x4f: {  	v3 =	vadd.f32 v7, v3;
	v5 =	vadd.f32 v16, v5;
	[tilespmem:$0x1A000] =	vst v8  }
0x50: {  	v2 =	vadd.f32 v9, v2;
	v4 =	vadd.f32 v17, v4;
	[tilespmem:$0x1A010] =	vst v6  }
0x51: {  	v3 =	vadd.f32 v18, v3;
	[tilespmem:$0x1A020] =	vst v5  }
0x52: {  	v1 =	vadd.f32 v12, v1;
	v2 =	vadd.f32 v19, v2;
	[tilespmem:$0x1A030] =	vst v4  }
0x53: {  	v0 =	vadd.f32 v13, v0;
	[tilespmem:$0x1A040] =	vst v3  }
0x54: {  	[tilespmem:$0x1A050] =	vst v2;
	v1 =	vadd.f32 v11, v1  }
0x55: {  	[tilespmem:$0x1A070] =	vst v0  }
0x56: {  	[tilespmem:$0x1A060] =	vst v1  }
0x57: {  	_ =	swait.ge [sflag:s17], $0x3400  }
0x58: {  	[sflag:s17] =	ssyncset.done $0x0  }
0x59: {  	s25 =	simm.s32 $0x0;
	[sflag:s17] =	ssyncadd.s32 $0xFFFFCC00  }
0x5a: {  	v0 =	vld [tilespmem:s25+$0x13870]  }
0x5b: {  	v2 =	vld [tilespmem:s25+$0x13800]  }
0x5c: {  	v4 =	vld [tilespmem:s25+$0x13810]  }
0x5d: {  	v5 =	vld [tilespmem:s25+$0x13820]  }
0x5e: {  	v8 =	vld [tilespmem:s25+$0x13830]  }
0x5f: {  	v7 =	vimm.f32 $0.0e+00;
	v3 =	vimm.f32 $0.0e+00;
	v6 =	vld [tilespmem:s25+$0x13840]  }
0x60: {  	v9 =	vimm.f32 $0.0e+00;
	v10 =	vimm.f32 $0.0e+00;
	v11 =	vld [tilespmem:s25+$0x13850];
	v1 =	vadd.f32 v0, v3  }
0x61: {  	s24 =	simm.s32 $0x400;
	s23 =	simm.s32 $0x80;
	v12 =	vld [tilespmem:s25+$0x13860];
	v0 =	vadd.f32 v2, v3;
	v2 =	vadd.f32 v4, v3;
	v4 =	vimm.f32 $0.0e+00  }
.LBB2_7:
0x62: {  	p0 =	sne.s32 s24, $0xCE00;
	v13 =	vld [tilespmem:s23+$0x13870];
	v3 =	vadd.f32 v5, v3  }
0x63: {  	v14 =	vld [tilespmem:s23+$0x13800];
	v4 =	vadd.f32 v8, v4  }
0x64: {  	v15 =	vld [tilespmem:s23+$0x13810];
	v9 =	vadd.f32 v6, v9  }
.Ltmp2:
0x65: {  	v5 =	vld [tilespmem:s23+$0x13820];
	v10 =	vadd.f32 v11, v10;
	(pc) =	sbr.rel @p0 .LBB2_7-.Ltmp2, $4  }
0x66: {  	v8 =	vld [tilespmem:s23+$0x13830];
	v7 =	vadd.f32 v12, v7  }
0x67: {  	v6 =	vld [tilespmem:s23+$0x13840];
	v1 =	vadd.f32 v13, v1  }
0x68: {  	v0 =	vadd.f32 v14, v0;
	v11 =	vld [tilespmem:s23+$0x13850]  }
0x69: {  	v2 =	vadd.f32 v15, v2;
	v12 =	vld [tilespmem:s23+$0x13860];
	s23 =	sshra.s32 s24, $0x2;
	s24 =	sadd.s32 $0x200, s24  }
0x6a: {  	v13 =	vld [tilespmem:s23+$0x13870]  }
0x6b: {  	v14 =	vld [tilespmem:s23+$0x13800]  }
0x6c: {  	v15 =	vld [tilespmem:s23+$0x13810]  }
0x6d: {  	v16 =	vld [tilespmem:s23+$0x13820]  }
0x6e: {  	v17 =	vld [tilespmem:s23+$0x13830]  }
0x6f: {  	v18 =	vld [tilespmem:s23+$0x13840]  }
0x70: {  	v19 =	vld [tilespmem:s23+$0x13850]  }
0x71: {  	v20 =	vld [tilespmem:s23+$0x13860];
	_ =	swait.ge [sflag:s18], $0x3400  }
0x72: {  	[sflag:s18] =	ssyncset.done $0x0  }
0x73: {  	s31 =	sadd.s32 $0x270, s22;
	s25 =	simm.s32 $0x0;
	[sflag:s18] =	ssyncadd.s32 $0xFFFFCC00  }
0x74: {  	[tilespmem:s12], [sflag:$0x3] =	stream.indirect.gather [hbm4b:s2+s8], $0x80, s31, s8, $0xb8;
	[tilespmem:$0x1A200] =	vst v63  }
0x75: {  	v3 =	vadd.f32 v5, v3;
	v4 =	vadd.f32 v8, v4;
	v21 =	vld [tilespmem:s25+$0x16C70]  }
0x76: {  	v9 =	vadd.f32 v6, v9;
	v10 =	vadd.f32 v11, v10;
	v11 =	vld [tilespmem:s25+$0x16C00]  }
0x77: {  	v12 =	vadd.f32 v12, v7;
	v22 =	vld [tilespmem:s25+$0x16C10];
	v13 =	vadd.f32 v13, v1  }
0x78: {  	v8 =	vld [tilespmem:s25+$0x16C20];
	v14 =	vadd.f32 v14, v0;
	v15 =	vadd.f32 v15, v2  }
0x79: {  	v6 =	vld [tilespmem:s25+$0x16C30];
	v5 =	vadd.f32 v16, v3;
	v4 =	vadd.f32 v17, v4  }
0x7a: {  	v7 =	vld [tilespmem:s25+$0x16C40];
	v3 =	vadd.f32 v18, v9;
	v2 =	vadd.f32 v19, v10  }
0x7b: {  	v9 =	vld [tilespmem:s25+$0x16C50];
	v1 =	vadd.f32 v20, v12;
	v0 =	vadd.f32 v21, v13  }
0x7c: {  	s23 =	simm.s32 $0x80;
	s24 =	simm.s32 $0x400;
	v12 =	vld [tilespmem:s25+$0x16C60];
	v11 =	vadd.f32 v11, v14;
	v10 =	vadd.f32 v22, v15  }
.LBB2_9:
0x7d: {  	p0 =	sne.s32 s24, $0xCE00;
	v13 =	vld [tilespmem:s23+$0x16C70];
	v5 =	vadd.f32 v8, v5  }
0x7e: {  	v14 =	vld [tilespmem:s23+$0x16C00];
	v4 =	vadd.f32 v6, v4  }
0x7f: {  	v15 =	vld [tilespmem:s23+$0x16C10];
	v3 =	vadd.f32 v7, v3  }
.Ltmp3:
0x80: {  	v8 =	vld [tilespmem:s23+$0x16C20];
	v2 =	vadd.f32 v9, v2;
	(pc) =	sbr.rel @p0 .LBB2_9-.Ltmp3, $4  }
0x81: {  	v6 =	vld [tilespmem:s23+$0x16C30];
	v1 =	vadd.f32 v12, v1  }
0x82: {  	v7 =	vld [tilespmem:s23+$0x16C40];
	v0 =	vadd.f32 v13, v0  }
0x83: {  	v11 =	vadd.f32 v14, v11;
	v9 =	vld [tilespmem:s23+$0x16C50]  }
0x84: {  	v10 =	vadd.f32 v15, v10;
	v12 =	vld [tilespmem:s23+$0x16C60];
	s23 =	sshra.s32 s24, $0x2;
	s24 =	sadd.s32 $0x200, s24  }
0x85: {  	v13 =	vld [tilespmem:s23+$0x16C70]  }
0x86: {  	v14 =	vld [tilespmem:s23+$0x16C00]  }
0x87: {  	v15 =	vld [tilespmem:s23+$0x16C10]  }
0x88: {  	v16 =	vld [tilespmem:s23+$0x16C20]  }
0x89: {  	v17 =	vld [tilespmem:s23+$0x16C30]  }
0x8a: {  	v18 =	vld [tilespmem:s23+$0x16C40]  }
0x8b: {  	v19 =	vld [tilespmem:s23+$0x16C50];
	v5 =	vadd.f32 v8, v5;
	s22 =	sadd.s32 $0x2D8, s22;
	v8 =	vadd.f32 v14, v11  }
0x8c: {  	v4 =	vadd.f32 v6, v4;
	v11 =	vld [tilespmem:s23+$0x16C60];
	v6 =	vadd.f32 v15, v10;
	[tilespmem:s14], [sflag:$0x4] =	stream.indirect.gather [hbm4b:s2+s8], $0x80, s22, s8, $0xb8  }
0x8d: {  	v3 =	vadd.f32 v7, v3;
	v5 =	vadd.f32 v16, v5;
	[tilespmem:$0x1A080] =	vst v8  }
0x8e: {  	v2 =	vadd.f32 v9, v2;
	v4 =	vadd.f32 v17, v4;
	[tilespmem:$0x1A090] =	vst v6  }
0x8f: {  	v3 =	vadd.f32 v18, v3;
	[tilespmem:$0x1A0A0] =	vst v5  }
0x90: {  	v1 =	vadd.f32 v12, v1;
	v2 =	vadd.f32 v19, v2;
	[tilespmem:$0x1A0B0] =	vst v4  }
0x91: {  	v0 =	vadd.f32 v13, v0;
	[tilespmem:$0x1A0C0] =	vst v3  }
0x92: {  	[tilespmem:$0x1A0D0] =	vst v2;
	v1 =	vadd.f32 v11, v1  }
0x93: {  	[tilespmem:$0x1A0F0] =	vst v0  }
0x94: {  	[tilespmem:$0x1A0E0] =	vst v1  }
0x95: {  	_ =	swait.ge [sflag:s15], $0x3400  }
0x96: {  	[sflag:s15] =	ssyncset.done $0x0  }
0x97: {  	s24 =	simm.s32 $0x0;
	[sflag:s15] =	ssyncadd.s32 $0xFFFFCC00  }
0x98: {  	v0 =	vld [tilespmem:s24+$0xD070]  }
0x99: {  	v2 =	vld [tilespmem:s24+$0xD000]  }
0x9a: {  	v4 =	vld [tilespmem:s24+$0xD010]  }
0x9b: {  	v5 =	vld [tilespmem:s24+$0xD020]  }
0x9c: {  	v8 =	vld [tilespmem:s24+$0xD030]  }
0x9d: {  	v7 =	vimm.f32 $0.0e+00;
	v3 =	vimm.f32 $0.0e+00;
	v6 =	vld [tilespmem:s24+$0xD040]  }
0x9e: {  	v9 =	vimm.f32 $0.0e+00;
	v10 =	vimm.f32 $0.0e+00;
	v11 =	vld [tilespmem:s24+$0xD050];
	v1 =	vadd.f32 v0, v3  }
0x9f: {  	s22 =	simm.s32 $0x80;
	s23 =	simm.s32 $0x400;
	v12 =	vld [tilespmem:s24+$0xD060];
	v0 =	vadd.f32 v2, v3;
	v2 =	vadd.f32 v4, v3;
	v4 =	vimm.f32 $0.0e+00  }
.LBB2_11:
0xa0: {  	p0 =	sne.s32 s23, $0xCE00;
	v13 =	vld [tilespmem:s22+$0xD070];
	v3 =	vadd.f32 v5, v3  }
0xa1: {  	v14 =	vld [tilespmem:s22+$0xD000];
	v4 =	vadd.f32 v8, v4  }
0xa2: {  	v15 =	vld [tilespmem:s22+$0xD010];
	v9 =	vadd.f32 v6, v9  }
.Ltmp4:
0xa3: {  	v5 =	vld [tilespmem:s22+$0xD020];
	v10 =	vadd.f32 v11, v10;
	(pc) =	sbr.rel @p0 .LBB2_11-.Ltmp4, $4  }
0xa4: {  	v8 =	vld [tilespmem:s22+$0xD030];
	v7 =	vadd.f32 v12, v7  }
0xa5: {  	v6 =	vld [tilespmem:s22+$0xD040];
	v1 =	vadd.f32 v13, v1  }
0xa6: {  	v0 =	vadd.f32 v14, v0;
	v11 =	vld [tilespmem:s22+$0xD050]  }
0xa7: {  	v2 =	vadd.f32 v15, v2;
	v12 =	vld [tilespmem:s22+$0xD060];
	s22 =	sshra.s32 s23, $0x2;
	s23 =	sadd.s32 $0x200, s23  }
0xa8: {  	v13 =	vld [tilespmem:s22+$0xD070]  }
0xa9: {  	v14 =	vld [tilespmem:s22+$0xD000]  }
0xaa: {  	v15 =	vld [tilespmem:s22+$0xD010]  }
0xab: {  	v16 =	vld [tilespmem:s22+$0xD020]  }
0xac: {  	v17 =	vld [tilespmem:s22+$0xD030]  }
0xad: {  	v18 =	vld [tilespmem:s22+$0xD040]  }
0xae: {  	v19 =	vld [tilespmem:s22+$0xD050]  }
0xaf: {  	v20 =	vld [tilespmem:s22+$0xD060];
	s22 =	sshll.u32 s21, $0x2  }
0xb0: {  	p0 =	seq.s32 s21, $0x3F;
	s23 =	sadd.s32 $0x4, s22  }
0xb1: {  	_ =	swait.ge [sflag:s16], $0x3400;
	s23 =	smul.u32 @!p0 $0x340, s23  }
0xb2: {  	[sflag:s16] =	ssyncset.done $0x0;
	s24 =	simm.s32 @!p0 $0x68  }
0xb3: {  	s25 =	simm.s32 @!p0 $0xD000;
	[sflag:s16] =	ssyncadd.s32 $0xFFFFCC00;
	s23 =	sshra.s32 @!p0 s23, $0x2  }
0xb4: {  	[tilespmem:s25], [sflag:$0x1] =	stream.indirect.gather @!p0 [hbm4b:s2+s24], $0x80, s23, s24, $0xb8;
	[tilespmem:$0x1A200] =	vst v63  }
0xb5: {  	v3 =	vadd.f32 v5, v3;
	v4 =	vadd.f32 v8, v4;
	v8 =	vld [tilespmem:s26+$0x10470]  }
0xb6: {  	v9 =	vadd.f32 v6, v9;
	v11 =	vadd.f32 v11, v10;
	v21 =	vld [tilespmem:s26+$0x10400]  }
0xb7: {  	v12 =	vadd.f32 v12, v7;
	v13 =	vadd.f32 v13, v1;
	v22 =	vld [tilespmem:s26+$0x10410]  }
0xb8: {  	v14 =	vadd.f32 v14, v0;
	v15 =	vadd.f32 v15, v2;
	v10 =	vld [tilespmem:s26+$0x10420]  }
0xb9: {  	v5 =	vadd.f32 v16, v3;
	v4 =	vadd.f32 v17, v4;
	v6 =	vld [tilespmem:s26+$0x10430]  }
0xba: {  	v3 =	vadd.f32 v18, v9;
	v2 =	vadd.f32 v19, v11;
	v7 =	vld [tilespmem:s26+$0x10440]  }
0xbb: {  	v1 =	vadd.f32 v20, v12;
	v0 =	vadd.f32 v8, v13;
	v8 =	vld [tilespmem:s26+$0x10450]  }
0xbc: {  	s24 =	simm.s32 $0x80;
	s25 =	simm.s32 $0x400;
	v11 =	vld [tilespmem:s26+$0x10460];
	v12 =	vadd.f32 v21, v14;
	v9 =	vadd.f32 v22, v15  }
.LBB2_13:
0xbd: {  	p1 =	sne.s32 s25, $0xCE00;
	v13 =	vld [tilespmem:s24+$0x10470];
	v5 =	vadd.f32 v10, v5  }
0xbe: {  	v14 =	vld [tilespmem:s24+$0x10400];
	v4 =	vadd.f32 v6, v4  }
0xbf: {  	v15 =	vld [tilespmem:s24+$0x10410];
	v3 =	vadd.f32 v7, v3  }
.Ltmp5:
0xc0: {  	v10 =	vld [tilespmem:s24+$0x10420];
	v2 =	vadd.f32 v8, v2;
	(pc) =	sbr.rel @p1 .LBB2_13-.Ltmp5, $4  }
0xc1: {  	v6 =	vld [tilespmem:s24+$0x10430];
	v1 =	vadd.f32 v11, v1  }
0xc2: {  	v7 =	vld [tilespmem:s24+$0x10440];
	v0 =	vadd.f32 v13, v0  }
0xc3: {  	v12 =	vadd.f32 v14, v12;
	v8 =	vld [tilespmem:s24+$0x10450]  }
0xc4: {  	v9 =	vadd.f32 v15, v9;
	v11 =	vld [tilespmem:s24+$0x10460];
	s24 =	sshra.s32 s25, $0x2;
	s25 =	sadd.s32 $0x200, s25  }
0xc5: {  	v13 =	vld [tilespmem:s24+$0x10470]  }
0xc6: {  	v14 =	vld [tilespmem:s24+$0x10400]  }
0xc7: {  	v15 =	vld [tilespmem:s24+$0x10410]  }
0xc8: {  	v16 =	vld [tilespmem:s24+$0x10420]  }
0xc9: {  	v17 =	vld [tilespmem:s24+$0x10430]  }
0xca: {  	v18 =	vld [tilespmem:s24+$0x10440]  }
0xcb: {  	v19 =	vld [tilespmem:s24+$0x10450]  }
0xcc: {  	v5 =	vadd.f32 v10, v5;
	s23 =	sadd.s32 @!p0 $0x68, s23;
	s25 =	simm.s32 @!p0 $0x10400;
	v10 =	vadd.f32 v14, v12;
	v12 =	vld [tilespmem:s24+$0x10460];
	s24 =	simm.s32 @!p0 $0x68  }
0xcd: {  	v4 =	vadd.f32 v6, v4;
	v6 =	vadd.f32 v15, v9;
	[tilespmem:s25], [sflag:$0x2] =	stream.indirect.gather @!p0 [hbm4b:s2+s24], $0x80, s23, s24, $0xb8;
	[tilespmem:$0x1A200] =	vst v63  }
0xce: {  	v3 =	vadd.f32 v7, v3;
	v5 =	vadd.f32 v16, v5;
	[tilespmem:$0x1A100] =	vst v10  }
0xcf: {  	v2 =	vadd.f32 v8, v2;
	v4 =	vadd.f32 v17, v4;
	[tilespmem:$0x1A110] =	vst v6  }
0xd0: {  	v3 =	vadd.f32 v18, v3;
	[tilespmem:$0x1A120] =	vst v5  }
0xd1: {  	v1 =	vadd.f32 v11, v1;
	v2 =	vadd.f32 v19, v2;
	[tilespmem:$0x1A130] =	vst v4  }
0xd2: {  	v0 =	vadd.f32 v13, v0;
	[tilespmem:$0x1A140] =	vst v3  }
0xd3: {  	[tilespmem:$0x1A150] =	vst v2;
	v1 =	vadd.f32 v12, v1  }
0xd4: {  	[tilespmem:$0x1A170] =	vst v0  }
0xd5: {  	[tilespmem:$0x1A160] =	vst v1  }
0xd6: {  	_ =	swait.ge [sflag:s17], $0x3400  }
0xd7: {  	[sflag:s17] =	ssyncset.done $0x0  }
0xd8: {  	s31 =	simm.s32 $0x0;
	[sflag:s17] =	ssyncadd.s32 $0xFFFFCC00  }
0xd9: {  	v0 =	vld [tilespmem:s31+$0x13870]  }
0xda: {  	v2 =	vld [tilespmem:s31+$0x13800]  }
0xdb: {  	v4 =	vld [tilespmem:s31+$0x13810]  }
0xdc: {  	v5 =	vld [tilespmem:s31+$0x13820]  }
0xdd: {  	v8 =	vld [tilespmem:s31+$0x13830]  }
0xde: {  	v7 =	vimm.f32 $0.0e+00;
	v3 =	vimm.f32 $0.0e+00;
	v6 =	vld [tilespmem:s31+$0x13840]  }
0xdf: {  	v9 =	vimm.f32 $0.0e+00;
	v10 =	vimm.f32 $0.0e+00;
	v11 =	vld [tilespmem:s31+$0x13850];
	v1 =	vadd.f32 v0, v3  }
0xe0: {  	s23 =	simm.s32 $0x80;
	s24 =	simm.s32 $0x400;
	v12 =	vld [tilespmem:s31+$0x13860];
	v0 =	vadd.f32 v2, v3;
	v2 =	vadd.f32 v4, v3;
	v4 =	vimm.f32 $0.0e+00  }
.LBB2_15:
0xe1: {  	p1 =	sne.s32 s24, $0xCE00;
	v13 =	vld [tilespmem:s23+$0x13870];
	v3 =	vadd.f32 v5, v3  }
0xe2: {  	v14 =	vld [tilespmem:s23+$0x13800];
	v4 =	vadd.f32 v8, v4  }
0xe3: {  	v15 =	vld [tilespmem:s23+$0x13810];
	v9 =	vadd.f32 v6, v9  }
.Ltmp6:
0xe4: {  	v5 =	vld [tilespmem:s23+$0x13820];
	v10 =	vadd.f32 v11, v10;
	(pc) =	sbr.rel @p1 .LBB2_15-.Ltmp6, $4  }
0xe5: {  	v8 =	vld [tilespmem:s23+$0x13830];
	v7 =	vadd.f32 v12, v7  }
0xe6: {  	v6 =	vld [tilespmem:s23+$0x13840];
	v1 =	vadd.f32 v13, v1  }
0xe7: {  	v0 =	vadd.f32 v14, v0;
	v11 =	vld [tilespmem:s23+$0x13850]  }
0xe8: {  	v2 =	vadd.f32 v15, v2;
	v12 =	vld [tilespmem:s23+$0x13860];
	s23 =	sshra.s32 s24, $0x2;
	s24 =	sadd.s32 $0x200, s24  }
0xe9: {  	v13 =	vld [tilespmem:s23+$0x13870]  }
0xea: {  	v14 =	vld [tilespmem:s23+$0x13800]  }
0xeb: {  	v15 =	vld [tilespmem:s23+$0x13810]  }
0xec: {  	v16 =	vld [tilespmem:s23+$0x13820]  }
0xed: {  	v17 =	vld [tilespmem:s23+$0x13830]  }
0xee: {  	v18 =	vld [tilespmem:s23+$0x13840]  }
0xef: {  	v19 =	vld [tilespmem:s23+$0x13850];
	s22 =	sadd.s32 $0x5, s22  }
0xf0: {  	v20 =	vld [tilespmem:s23+$0x13860];
	_ =	swait.ge [sflag:s18], $0x3400;
	s22 =	smul.u32 @!p0 $0x340, s22  }
0xf1: {  	s23 =	simm.s32 @!p0 $0x68;
	s24 =	simm.s32 @!p0 $0x13800;
	[sflag:s18] =	ssyncset.done $0x0  }
0xf2: {  	s25 =	simm.s32 $0x0;
	[sflag:s18] =	ssyncadd.s32 $0xFFFFCC00;
	s22 =	sshra.s32 @!p0 s22, $0x2  }
0xf3: {  	[tilespmem:s24], [sflag:$0x3] =	stream.indirect.gather @!p0 [hbm4b:s2+s23], $0x80, s22, s23, $0xb8;
	[tilespmem:$0x1A200] =	vst v63  }
0xf4: {  	v3 =	vadd.f32 v5, v3;
	v4 =	vadd.f32 v8, v4;
	v8 =	vld [tilespmem:s25+$0x16C70]  }
0xf5: {  	v9 =	vadd.f32 v6, v9;
	v11 =	vadd.f32 v11, v10;
	v21 =	vld [tilespmem:s25+$0x16C00]  }
0xf6: {  	v12 =	vadd.f32 v12, v7;
	v13 =	vadd.f32 v13, v1;
	v22 =	vld [tilespmem:s25+$0x16C10]  }
0xf7: {  	v14 =	vadd.f32 v14, v0;
	v15 =	vadd.f32 v15, v2;
	v10 =	vld [tilespmem:s25+$0x16C20]  }
0xf8: {  	v5 =	vadd.f32 v16, v3;
	v4 =	vadd.f32 v17, v4;
	v6 =	vld [tilespmem:s25+$0x16C30]  }
0xf9: {  	v3 =	vadd.f32 v18, v9;
	v2 =	vadd.f32 v19, v11;
	v7 =	vld [tilespmem:s25+$0x16C40]  }
0xfa: {  	v1 =	vadd.f32 v20, v12;
	v0 =	vadd.f32 v8, v13;
	v8 =	vld [tilespmem:s25+$0x16C50]  }
0xfb: {  	s23 =	simm.s32 $0x80;
	s24 =	simm.s32 $0x400;
	v11 =	vld [tilespmem:s25+$0x16C60];
	v12 =	vadd.f32 v21, v14;
	v9 =	vadd.f32 v22, v15  }
.LBB2_17:
0xfc: {  	p1 =	sne.s32 s24, $0xCE00;
	v13 =	vld [tilespmem:s23+$0x16C70];
	v5 =	vadd.f32 v10, v5  }
0xfd: {  	v14 =	vld [tilespmem:s23+$0x16C00];
	v4 =	vadd.f32 v6, v4  }
0xfe: {  	v15 =	vld [tilespmem:s23+$0x16C10];
	v3 =	vadd.f32 v7, v3  }
.Ltmp7:
0xff: {  	v10 =	vld [tilespmem:s23+$0x16C20];
	v2 =	vadd.f32 v8, v2;
	(pc) =	sbr.rel @p1 .LBB2_17-.Ltmp7, $4  }
0x100: {  	v6 =	vld [tilespmem:s23+$0x16C30];
	v1 =	vadd.f32 v11, v1  }
0x101: {  	v7 =	vld [tilespmem:s23+$0x16C40];
	v0 =	vadd.f32 v13, v0  }
0x102: {  	v12 =	vadd.f32 v14, v12;
	v8 =	vld [tilespmem:s23+$0x16C50]  }
0x103: {  	v9 =	vadd.f32 v15, v9;
	v11 =	vld [tilespmem:s23+$0x16C60];
	s23 =	sshra.s32 s24, $0x2;
	s24 =	sadd.s32 $0x200, s24  }
0x104: {  	v13 =	vld [tilespmem:s23+$0x16C70]  }
0x105: {  	v14 =	vld [tilespmem:s23+$0x16C00]  }
0x106: {  	v15 =	vld [tilespmem:s23+$0x16C10]  }
0x107: {  	v16 =	vld [tilespmem:s23+$0x16C20]  }
0x108: {  	v17 =	vld [tilespmem:s23+$0x16C30]  }
0x109: {  	v18 =	vld [tilespmem:s23+$0x16C40]  }
0x10a: {  	v19 =	vld [tilespmem:s23+$0x16C50]  }
0x10b: {  	v5 =	vadd.f32 v10, v5;
	v62 =	vld [tilespmem:s23+$0x16C60];
	s22 =	sadd.s32 @!p0 $0x68, s22;
	s23 =	simm.s32 @!p0 $0x68;
	s24 =	simm.s32 @!p0 $0x16C00;
	v61 =	vadd.f32 v14, v12  }
0x10c: {  	v4 =	vadd.f32 v6, v4;
	[tilespmem:s24], [sflag:$0x4] =	stream.indirect.gather @!p0 [hbm4b:s2+s23], $0x80, s22, s23, $0xb8;
	v63 =	vadd.f32 v15, v9;
	[tilespmem:$0x1A200] =	vst v63  }
0x10d: {  	v3 =	vadd.f32 v7, v3;
	v5 =	vadd.f32 v16, v5;
	[tilespmem:$0x1A180] =	vst v61  }
0x10e: {  	v2 =	vadd.f32 v8, v2;
	v4 =	vadd.f32 v17, v4;
	[tilespmem:$0x1A190] =	vst v63  }
0x10f: {  	v3 =	vadd.f32 v18, v3;
	[tilespmem:$0x1A1A0] =	vst v5  }
0x110: {  	v1 =	vadd.f32 v11, v1;
	v2 =	vadd.f32 v19, v2;
	[tilespmem:$0x1A1B0] =	vst v4  }
0x111: {  	v0 =	vadd.f32 v13, v0;
	[tilespmem:$0x1A1C0] =	vst v3  }
0x112: {  	s31 =	sshll.u32 s21, $0x6;
	s21 =	sadd.s32 $0x1, s21;
	v1 =	vadd.f32 v62, v1;
	[tilespmem:$0x1A1D0] =	vst v2  }
0x113: {  	p0 =	sne.s32 s21, $0x40;
	[tilespmem:$0x1A1F0] =	vst v0  }
.Ltmp8:
0x114: {  	s22 =	sadd.s32 s31, s5;
	[tilespmem:$0x1A1E0] =	vst v1;
	(pc) =	sbr.rel @p0 .LBB2_2-.Ltmp8, $4  }
0x115: {  	[hbm4b:s22+s3] =	stream.linear.scatter [tilespmem:s19], [sflag:$0x5], $0x200, $0x38;
	[tilespmem:$0x1A200] =	vst v63  }
0x116: {  	_ =	swait.ge [sflag:s7], $0x200  }
0x117: {  	[sflag:s7] =	ssyncset.done $0x0  }
0x118: {  	[sflag:s7] =	ssyncadd.s32 $0xFFFFFE00  }
0x119: {  	s20 =	sadd.s32 $0x1, s20  }
0x11a: {  	p0 =	sne.s32 s20, s6  }
.Ltmp9:
0x11b: {  	_ = 	snop;
	(pc) =	sbr.rel @p0 .LBB2_1-.Ltmp9, $1  }
0x11c: {  	_ =	sdelay $0x3  }
0x11d: {  	_ =	sfence.sel $0x180000  }
0x11e: {  	[bflag:$0x0] =	sbarrier.arrive $0xFFFF  }
0x11f: {  	p0 =	sne.s32 s1, $0x0;
	_ =	strace $0x90000047  }
0x120: {  	s0 =	sadd.s32 @!p0 $0x100000, s0;
	[bflag:$0x2] =	sbarrier.arrive $0xFFFF  }
0x121: {  	[sflag:s0] =	ssyncadd.tile.s32 @!p0 $0x1;
	_ =	shalt  }
.Lfunc_end2:
_tile_overlayer_lowered:
.L_overlay_start_2:
0x122: {  	(tag) =	ssettag $0x2  }
0x123: {  	s0 =	rddreg [dreg:$0x0];
	s2 =	stileid.u32  }
0x124: {  	s1 =	rddreg [dreg:$0x1];
	p0 =	sne.s32 s2, $0x0  }
0x125: {  	s3 =	rddreg [dreg:$0x2];
	[bflag:$0x3] =	sbarrier.arrive $0xFFFF;
	s2 =	simm.s32 @!p0 $0x1C05  }
0x126: {  	[timem:s3], [sflag:s2] =	dma.local @!p0 [hbm:s0], s1  }
0x127: {  	s0 =	simm.s32 @!p0 $0x5  }
0x128: {  	_ =	swait.ge @!p0 [sflag:s0], s1  }
0x129: {  	s1 =	ssub.s32 @!p0 $0x0, s1;
	[sflag:s0] =	ssyncset.done @!p0 $0x0  }
0x12a: {  	[sflag:s0] =	ssyncadd.s32 @!p0 s1  }
0x12b: {  	[bflag:$0x3] =	sbarrier.arrive $0xFFFF  }
0x12c: {  	_ =	shalt  }

</sc_bundles>
